<compile_context>
chip_gen: v7x
topology: tpu7x:2x2x1
jax: 0.10.2.dev20260603
libtpu: 0.0.44.dev20260713+nightly
codegen_flags: <defaults>
</compile_context>

<pallas_src>
import functools

import jax
import jax.numpy as jnp
from jax import lax
from jax.experimental import pallas as pl
from jax.experimental.pallas import tpu as pltpu
from jax.experimental.pallas import tpu_sc as plsc

CHUNK = 128
NBUF = 8
LAG = 2
PAD = 128


@functools.lru_cache(maxsize=None)
def _make_gather(vocab2, dim, cpw, nc, ns):
    nw = nc * ns
    mesh = plsc.VectorSubcoreMesh(
        core_axis_name="c", subcore_axis_name="s", num_cores=nc,
        num_subcores=ns)

    @functools.partial(
        pl.kernel,
        out_type=jax.ShapeDtypeStruct((nw * cpw * CHUNK, PAD), jnp.float32),
        mesh=mesh,
        compiler_params=pltpu.CompilerParams(use_tc_tiling_on_sc=False),
        scratch_types=[
            pltpu.VMEM((cpw, CHUNK), jnp.int32),
            pltpu.VMEM((NBUF, CHUNK, dim), jnp.float32),
            pltpu.SemaphoreType.DMA((NBUF,)),
            pltpu.SemaphoreType.DMA((NBUF,)),
        ],
    )
    def gather_kernel(idx_hbm, table_hbm, out_hbm, idx_v, rows_v, sem_g,
                      sem_o):
        wid = lax.axis_index("s") * nc + lax.axis_index("c")
        row0 = wid * cpw
        pltpu.sync_copy(idx_hbm.at[pl.ds(row0, cpw)], idx_v)

        for b in range(NBUF):
            pltpu.async_copy(table_hbm.at[idx_v.at[b]], rows_v.at[b],
                             sem_g.at[b])

        def step(j, carry):
            jmod = lax.rem(j, NBUF)
            out_slice = out_hbm.at[pl.ds((row0 + j) * CHUNK, CHUNK),
                                   pl.ds(0, dim)]
            pltpu.make_async_copy(
                table_hbm.at[idx_v.at[j]], rows_v.at[jmod],
                sem_g.at[jmod]).wait()
            pltpu.async_copy(rows_v.at[jmod], out_slice, sem_o.at[jmod])

            @pl.when(jnp.logical_and(j >= LAG, j + NBUF - LAG < cpw))
            def _():
                b2 = lax.rem(j - LAG, NBUF)
                pltpu.make_async_copy(rows_v.at[b2], out_slice,
                                      sem_o.at[b2]).wait()
                pltpu.async_copy(table_hbm.at[idx_v.at[j + NBUF - LAG]],
                                 rows_v.at[b2], sem_g.at[b2])

            return carry

        lax.fori_loop(0, cpw, step, 0)

        for b in range(NBUF):
            pltpu.make_async_copy(
                rows_v.at[b],
                out_hbm.at[pl.ds(row0 * CHUNK, CHUNK), pl.ds(0, dim)],
                sem_o.at[b]).wait()

    return gather_kernel


def kernel(x, table):
    vocab, dim = table.shape
    orig_shape = x.shape
    flat = x.reshape(-1).astype(jnp.int32)
    b = flat.shape[0]
    info = plsc.get_sparse_core_info()
    nc, ns = info.num_cores, info.num_subcores
    nw = nc * ns
    per_call = nw * CHUNK
    b_pad = ((b + per_call - 1) // per_call) * per_call
    if b_pad != b:
        flat = jnp.pad(flat, (0, b_pad - b))
    cpw = b_pad // per_call
    idx2d = (flat * (PAD // dim)).reshape(cpw * nw, CHUNK)
    table_pad = jnp.pad(table, ((0, 0), (0, PAD - dim)))
    table2 = table_pad.reshape(vocab * (PAD // dim), dim)
    out128 = _make_gather(table2.shape[0], dim, cpw, nc, ns)(idx2d, table2)
    out = out128.reshape(b_pad // CHUNK * CHUNK, PAD)[:b, :dim]
    return out.reshape(orig_shape + (dim,))

# --- scband reference (transcript-rebuilt; emitter-appended) ---
"""Pipeline reference for scband-dynamic-embedding-torch-22445499089538 (READ-ONLY COPY).

The authoritative reference and input builder live on the scoring server;
editing this copy changes nothing except your own understanding.
"""

import jax, jax.numpy as jnp
import numpy as np

VOCAB = 1000000
DIM = 64

def setup_inputs(seed: int = 0) -> dict:
    key = jax.random.key(seed)
    k_idx, k_tab = jax.random.split(key)
    x = jax.random.randint(k_idx, (4096, 200), 0, VOCAB, dtype=jnp.int64) if jax.config.jax_enable_x64 else jax.random.randint(k_idx, (4096, 200), 0, VOCAB, dtype=jnp.int32)
    table = jax.random.normal(k_tab, (VOCAB, DIM), dtype=jnp.float32)
    return {"x": x, "table": table}

def reference(x, table):
    # nn.Embedding forward: gather rows of the embedding table
    return jnp.take(table, x, axis=0)

if __name__ == "__main__":
    import jax
    _d = setup_inputs()
    print(jax.jit(kernel)(*tuple(_d.values())))

</pallas_src>

<mosaic_0001>
#map = affine_map<(d0, d1) -> (0, 0)>
module attributes {stable_mosaic.version = 14 : i64} {
  func.func @gather_kernel(%arg0: i32, %arg1: i32, %arg2: memref<6400x128xi32, #tpu.memory_space<hbm>>, %arg3: memref<2000000x64xf32, #tpu.memory_space<hbm>>, %arg4: memref<819200x128xf32, #tpu.memory_space<hbm>>, %arg5: memref<200x128xi32, #tpu.memory_space<vmem>>, %arg6: memref<8x128x64xf32, #tpu.memory_space<vmem>>, %arg7: memref<8x!tpu.dma_semaphore, #tpu.memory_space<semaphore_mem>>, %arg8: memref<8x!tpu.dma_semaphore, #tpu.memory_space<semaphore_mem>>) attributes {dimension_semantics = [#tpu.dimension_semantics<core_parallel>, #tpu.dimension_semantics<subcore_parallel>], iteration_bounds = array<i64: 2, 16>, scalar_prefetch = 0 : i64, scratch_operands = 4 : i64, tpu.core_type = #tpu.core_type<sc_vector_subcore>, window_params = [{transform_indices = #map}, {transform_indices = #map}, {transform_indices = #map}]} {
    %mul3A = arith.constant 2 : i32
    %mul3A_0 = arith.muli %arg1, %mul3A : i32
    %add3A = arith.addi %mul3A_0, %arg0 : i32
    %mul3A_1 = arith.constant 200 : i32
    %mul3A_2 = arith.muli %add3A, %mul3A_1 : i32
    "tpu.region"() ({
      %run_scoped3A = tpu.sem_alloc : memref<!tpu.dma_semaphore, #tpu.memory_space<semaphore_mem>>
      %dma_start3A_270 = arith.constant 0 : i32
      %dma_start3A_271 = tpu.memref_slice %arg2[%mul3A_2, %dma_start3A_270] : memref<6400x128xi32, #tpu.memory_space<hbm>> -> memref<200x128xi32, #tpu.memory_space<hbm>>
      %dma_start3A_272 = arith.constant 0 : i32
      %dma_start3A_273 = tpu.memref_slice %arg2[%mul3A_2, %dma_start3A_272] : memref<6400x128xi32, #tpu.memory_space<hbm>> -> memref<200x128xi32, #tpu.memory_space<hbm>>
      tpu.enqueue_dma source(%dma_start3A_273 : memref<200x128xi32, #tpu.memory_space<hbm>>) target(%arg5 : memref<200x128xi32, #tpu.memory_space<vmem>>) target_semaphore(%run_scoped3A : memref<!tpu.dma_semaphore, #tpu.memory_space<semaphore_mem>>)
      %dma_wait3A_274 = arith.constant 0 : i32
      %dma_wait3A_275 = tpu.memref_slice %arg2[%mul3A_2, %dma_wait3A_274] : memref<6400x128xi32, #tpu.memory_space<hbm>> -> memref<200x128xi32, #tpu.memory_space<hbm>>
      %dma_wait3A_276 = arith.constant 0 : i32
      %dma_wait3A_277 = tpu.memref_slice %arg2[%mul3A_2, %dma_wait3A_276] : memref<6400x128xi32, #tpu.memory_space<hbm>> -> memref<200x128xi32, #tpu.memory_space<hbm>>
      tpu.wait_dma2 semaphore(%run_scoped3A : memref<!tpu.dma_semaphore, #tpu.memory_space<semaphore_mem>>) src(%dma_wait3A_277 : memref<200x128xi32, #tpu.memory_space<hbm>>) dst(%arg5 : memref<200x128xi32, #tpu.memory_space<vmem>>)
      tpu.yield
    }) : () -> ()
    %dma_start3A = arith.constant 0 : i32
    %dma_start3A_3 = arith.constant 0 : i32
    %dma_start3A_4 = arith.constant 0 : i32
    %dma_start3A_5 = arith.constant 0 : i32
    %dma_start3A_6 = arith.constant 0 : i32
    %dma_start3A_7 = tpu.memref_slice %arg6[%dma_start3A_3, %dma_start3A_5, %dma_start3A_6] : memref<8x128x64xf32, #tpu.memory_space<vmem>> -> memref<1x128x64xf32, #tpu.memory_space<vmem>>
    %dma_start3A_8 = tpu.memref_squeeze %dma_start3A_7 : memref<1x128x64xf32, #tpu.memory_space<vmem>> -> memref<128x64xf32, #tpu.memory_space<vmem>>
    %dma_start3A_9 = arith.constant 0 : i32
    %dma_start3A_10 = tpu.memref_slice %arg5[%dma_start3A, %dma_start3A_9] : memref<200x128xi32, #tpu.memory_space<vmem>> -> memref<1x128xi32, #tpu.memory_space<vmem>>
    %dma_start3A_11 = tpu.memref_squeeze %dma_start3A_10 : memref<1x128xi32, #tpu.memory_space<vmem>> -> memref<128xi32, #tpu.memory_space<vmem>>
    %dma_start3A_12 = arith.constant 0 : i32
    %dma_start3A_13 = arith.constant 0 : i32
    %dma_start3A_14 = tpu.memref_slice %arg3[%dma_start3A_12, %dma_start3A_13] : memref<2000000x64xf32, #tpu.memory_space<hbm>> -> memref<2000000x64xf32, #tpu.memory_space<hbm>>
    %dma_start3A_15 = tpu.memref_slice %arg7[%dma_start3A_4] : memref<8x!tpu.dma_semaphore, #tpu.memory_space<semaphore_mem>> -> memref<1x!tpu.dma_semaphore, #tpu.memory_space<semaphore_mem>>
    %dma_start3A_16 = tpu.memref_squeeze %dma_start3A_15 : memref<1x!tpu.dma_semaphore, #tpu.memory_space<semaphore_mem>> -> memref<!tpu.dma_semaphore, #tpu.memory_space<semaphore_mem>>
    tpu.enqueue_indirect_dma source(%dma_start3A_14 : memref<2000000x64xf32, #tpu.memory_space<hbm>>) target(%dma_start3A_8 : memref<128x64xf32, #tpu.memory_space<vmem>>) offsets(%dma_start3A_11 : memref<128xi32, #tpu.memory_space<vmem>>) semaphore(%dma_start3A_16 : memref<!tpu.dma_semaphore, #tpu.memory_space<semaphore_mem>>)
    %dma_start3A_17 = arith.constant 1 : i32
    %dma_start3A_18 = arith.constant 1 : i32
    %dma_start3A_19 = arith.constant 1 : i32
    %dma_start3A_20 = arith.constant 0 : i32
    %dma_start3A_21 = arith.constant 0 : i32
    %dma_start3A_22 = tpu.memref_slice %arg6[%dma_start3A_18, %dma_start3A_20, %dma_start3A_21] : memref<8x128x64xf32, #tpu.memory_space<vmem>> -> memref<1x128x64xf32, #tpu.memory_space<vmem>>
    %dma_start3A_23 = tpu.memref_squeeze %dma_start3A_22 : memref<1x128x64xf32, #tpu.memory_space<vmem>> -> memref<128x64xf32, #tpu.memory_space<vmem>>
    %dma_start3A_24 = arith.constant 0 : i32
    %dma_start3A_25 = tpu.memref_slice %arg5[%dma_start3A_17, %dma_start3A_24] : memref<200x128xi32, #tpu.memory_space<vmem>> -> memref<1x128xi32, #tpu.memory_space<vmem>>
    %dma_start3A_26 = tpu.memref_squeeze %dma_start3A_25 : memref<1x128xi32, #tpu.memory_space<vmem>> -> memref<128xi32, #tpu.memory_space<vmem>>
    %dma_start3A_27 = arith.constant 0 : i32
    %dma_start3A_28 = arith.constant 0 : i32
    %dma_start3A_29 = tpu.memref_slice %arg3[%dma_start3A_27, %dma_start3A_28] : memref<2000000x64xf32, #tpu.memory_space<hbm>> -> memref<2000000x64xf32, #tpu.memory_space<hbm>>
    %dma_start3A_30 = tpu.memref_slice %arg7[%dma_start3A_19] : memref<8x!tpu.dma_semaphore, #tpu.memory_space<semaphore_mem>> -> memref<1x!tpu.dma_semaphore, #tpu.memory_space<semaphore_mem>>
    %dma_start3A_31 = tpu.memref_squeeze %dma_start3A_30 : memref<1x!tpu.dma_semaphore, #tpu.memory_space<semaphore_mem>> -> memref<!tpu.dma_semaphore, #tpu.memory_space<semaphore_mem>>
    tpu.enqueue_indirect_dma source(%dma_start3A_29 : memref<2000000x64xf32, #tpu.memory_space<hbm>>) target(%dma_start3A_23 : memref<128x64xf32, #tpu.memory_space<vmem>>) offsets(%dma_start3A_26 : memref<128xi32, #tpu.memory_space<vmem>>) semaphore(%dma_start3A_31 : memref<!tpu.dma_semaphore, #tpu.memory_space<semaphore_mem>>)
    %dma_start3A_32 = arith.constant 2 : i32
    %dma_start3A_33 = arith.constant 2 : i32
    %dma_start3A_34 = arith.constant 2 : i32
    %dma_start3A_35 = arith.constant 0 : i32
    %dma_start3A_36 = arith.constant 0 : i32
    %dma_start3A_37 = tpu.memref_slice %arg6[%dma_start3A_33, %dma_start3A_35, %dma_start3A_36] : memref<8x128x64xf32, #tpu.memory_space<vmem>> -> memref<1x128x64xf32, #tpu.memory_space<vmem>>
    %dma_start3A_38 = tpu.memref_squeeze %dma_start3A_37 : memref<1x128x64xf32, #tpu.memory_space<vmem>> -> memref<128x64xf32, #tpu.memory_space<vmem>>
    %dma_start3A_39 = arith.constant 0 : i32
    %dma_start3A_40 = tpu.memref_slice %arg5[%dma_start3A_32, %dma_start3A_39] : memref<200x128xi32, #tpu.memory_space<vmem>> -> memref<1x128xi32, #tpu.memory_space<vmem>>
    %dma_start3A_41 = tpu.memref_squeeze %dma_start3A_40 : memref<1x128xi32, #tpu.memory_space<vmem>> -> memref<128xi32, #tpu.memory_space<vmem>>
    %dma_start3A_42 = arith.constant 0 : i32
    %dma_start3A_43 = arith.constant 0 : i32
    %dma_start3A_44 = tpu.memref_slice %arg3[%dma_start3A_42, %dma_start3A_43] : memref<2000000x64xf32, #tpu.memory_space<hbm>> -> memref<2000000x64xf32, #tpu.memory_space<hbm>>
    %dma_start3A_45 = tpu.memref_slice %arg7[%dma_start3A_34] : memref<8x!tpu.dma_semaphore, #tpu.memory_space<semaphore_mem>> -> memref<1x!tpu.dma_semaphore, #tpu.memory_space<semaphore_mem>>
    %dma_start3A_46 = tpu.memref_squeeze %dma_start3A_45 : memref<1x!tpu.dma_semaphore, #tpu.memory_space<semaphore_mem>> -> memref<!tpu.dma_semaphore, #tpu.memory_space<semaphore_mem>>
    tpu.enqueue_indirect_dma source(%dma_start3A_44 : memref<2000000x64xf32, #tpu.memory_space<hbm>>) target(%dma_start3A_38 : memref<128x64xf32, #tpu.memory_space<vmem>>) offsets(%dma_start3A_41 : memref<128xi32, #tpu.memory_space<vmem>>) semaphore(%dma_start3A_46 : memref<!tpu.dma_semaphore, #tpu.memory_space<semaphore_mem>>)
    %dma_start3A_47 = arith.constant 3 : i32
    %dma_start3A_48 = arith.constant 3 : i32
    %dma_start3A_49 = arith.constant 3 : i32
    %dma_start3A_50 = arith.constant 0 : i32
    %dma_start3A_51 = arith.constant 0 : i32
    %dma_start3A_52 = tpu.memref_slice %arg6[%dma_start3A_48, %dma_start3A_50, %dma_start3A_51] : memref<8x128x64xf32, #tpu.memory_space<vmem>> -> memref<1x128x64xf32, #tpu.memory_space<vmem>>
    %dma_start3A_53 = tpu.memref_squeeze %dma_start3A_52 : memref<1x128x64xf32, #tpu.memory_space<vmem>> -> memref<128x64xf32, #tpu.memory_space<vmem>>
    %dma_start3A_54 = arith.constant 0 : i32
    %dma_start3A_55 = tpu.memref_slice %arg5[%dma_start3A_47, %dma_start3A_54] : memref<200x128xi32, #tpu.memory_space<vmem>> -> memref<1x128xi32, #tpu.memory_space<vmem>>
    %dma_start3A_56 = tpu.memref_squeeze %dma_start3A_55 : memref<1x128xi32, #tpu.memory_space<vmem>> -> memref<128xi32, #tpu.memory_space<vmem>>
    %dma_start3A_57 = arith.constant 0 : i32
    %dma_start3A_58 = arith.constant 0 : i32
    %dma_start3A_59 = tpu.memref_slice %arg3[%dma_start3A_57, %dma_start3A_58] : memref<2000000x64xf32, #tpu.memory_space<hbm>> -> memref<2000000x64xf32, #tpu.memory_space<hbm>>
    %dma_start3A_60 = tpu.memref_slice %arg7[%dma_start3A_49] : memref<8x!tpu.dma_semaphore, #tpu.memory_space<semaphore_mem>> -> memref<1x!tpu.dma_semaphore, #tpu.memory_space<semaphore_mem>>
    %dma_start3A_61 = tpu.memref_squeeze %dma_start3A_60 : memref<1x!tpu.dma_semaphore, #tpu.memory_space<semaphore_mem>> -> memref<!tpu.dma_semaphore, #tpu.memory_space<semaphore_mem>>
    tpu.enqueue_indirect_dma source(%dma_start3A_59 : memref<2000000x64xf32, #tpu.memory_space<hbm>>) target(%dma_start3A_53 : memref<128x64xf32, #tpu.memory_space<vmem>>) offsets(%dma_start3A_56 : memref<128xi32, #tpu.memory_space<vmem>>) semaphore(%dma_start3A_61 : memref<!tpu.dma_semaphore, #tpu.memory_space<semaphore_mem>>)
    %dma_start3A_62 = arith.constant 4 : i32
    %dma_start3A_63 = arith.constant 4 : i32
    %dma_start3A_64 = arith.constant 4 : i32
    %dma_start3A_65 = arith.constant 0 : i32
    %dma_start3A_66 = arith.constant 0 : i32
    %dma_start3A_67 = tpu.memref_slice %arg6[%dma_start3A_63, %dma_start3A_65, %dma_start3A_66] : memref<8x128x64xf32, #tpu.memory_space<vmem>> -> memref<1x128x64xf32, #tpu.memory_space<vmem>>
    %dma_start3A_68 = tpu.memref_squeeze %dma_start3A_67 : memref<1x128x64xf32, #tpu.memory_space<vmem>> -> memref<128x64xf32, #tpu.memory_space<vmem>>
    %dma_start3A_69 = arith.constant 0 : i32
    %dma_start3A_70 = tpu.memref_slice %arg5[%dma_start3A_62, %dma_start3A_69] : memref<200x128xi32, #tpu.memory_space<vmem>> -> memref<1x128xi32, #tpu.memory_space<vmem>>
    %dma_start3A_71 = tpu.memref_squeeze %dma_start3A_70 : memref<1x128xi32, #tpu.memory_space<vmem>> -> memref<128xi32, #tpu.memory_space<vmem>>
    %dma_start3A_72 = arith.constant 0 : i32
    %dma_start3A_73 = arith.constant 0 : i32
    %dma_start3A_74 = tpu.memref_slice %arg3[%dma_start3A_72, %dma_start3A_73] : memref<2000000x64xf32, #tpu.memory_space<hbm>> -> memref<2000000x64xf32, #tpu.memory_space<hbm>>
    %dma_start3A_75 = tpu.memref_slice %arg7[%dma_start3A_64] : memref<8x!tpu.dma_semaphore, #tpu.memory_space<semaphore_mem>> -> memref<1x!tpu.dma_semaphore, #tpu.memory_space<semaphore_mem>>
    %dma_start3A_76 = tpu.memref_squeeze %dma_start3A_75 : memref<1x!tpu.dma_semaphore, #tpu.memory_space<semaphore_mem>> -> memref<!tpu.dma_semaphore, #tpu.memory_space<semaphore_mem>>
    tpu.enqueue_indirect_dma source(%dma_start3A_74 : memref<2000000x64xf32, #tpu.memory_space<hbm>>) target(%dma_start3A_68 : memref<128x64xf32, #tpu.memory_space<vmem>>) offsets(%dma_start3A_71 : memref<128xi32, #tpu.memory_space<vmem>>) semaphore(%dma_start3A_76 : memref<!tpu.dma_semaphore, #tpu.memory_space<semaphore_mem>>)
    %dma_start3A_77 = arith.constant 5 : i32
    %dma_start3A_78 = arith.constant 5 : i32
    %dma_start3A_79 = arith.constant 5 : i32
    %dma_start3A_80 = arith.constant 0 : i32
    %dma_start3A_81 = arith.constant 0 : i32
    %dma_start3A_82 = tpu.memref_slice %arg6[%dma_start3A_78, %dma_start3A_80, %dma_start3A_81] : memref<8x128x64xf32, #tpu.memory_space<vmem>> -> memref<1x128x64xf32, #tpu.memory_space<vmem>>
    %dma_start3A_83 = tpu.memref_squeeze %dma_start3A_82 : memref<1x128x64xf32, #tpu.memory_space<vmem>> -> memref<128x64xf32, #tpu.memory_space<vmem>>
    %dma_start3A_84 = arith.constant 0 : i32
    %dma_start3A_85 = tpu.memref_slice %arg5[%dma_start3A_77, %dma_start3A_84] : memref<200x128xi32, #tpu.memory_space<vmem>> -> memref<1x128xi32, #tpu.memory_space<vmem>>
    %dma_start3A_86 = tpu.memref_squeeze %dma_start3A_85 : memref<1x128xi32, #tpu.memory_space<vmem>> -> memref<128xi32, #tpu.memory_space<vmem>>
    %dma_start3A_87 = arith.constant 0 : i32
    %dma_start3A_88 = arith.constant 0 : i32
    %dma_start3A_89 = tpu.memref_slice %arg3[%dma_start3A_87, %dma_start3A_88] : memref<2000000x64xf32, #tpu.memory_space<hbm>> -> memref<2000000x64xf32, #tpu.memory_space<hbm>>
    %dma_start3A_90 = tpu.memref_slice %arg7[%dma_start3A_79] : memref<8x!tpu.dma_semaphore, #tpu.memory_space<semaphore_mem>> -> memref<1x!tpu.dma_semaphore, #tpu.memory_space<semaphore_mem>>
    %dma_start3A_91 = tpu.memref_squeeze %dma_start3A_90 : memref<1x!tpu.dma_semaphore, #tpu.memory_space<semaphore_mem>> -> memref<!tpu.dma_semaphore, #tpu.memory_space<semaphore_mem>>
    tpu.enqueue_indirect_dma source(%dma_start3A_89 : memref<2000000x64xf32, #tpu.memory_space<hbm>>) target(%dma_start3A_83 : memref<128x64xf32, #tpu.memory_space<vmem>>) offsets(%dma_start3A_86 : memref<128xi32, #tpu.memory_space<vmem>>) semaphore(%dma_start3A_91 : memref<!tpu.dma_semaphore, #tpu.memory_space<semaphore_mem>>)
    %dma_start3A_92 = arith.constant 6 : i32
    %dma_start3A_93 = arith.constant 6 : i32
    %dma_start3A_94 = arith.constant 6 : i32
    %dma_start3A_95 = arith.constant 0 : i32
    %dma_start3A_96 = arith.constant 0 : i32
    %dma_start3A_97 = tpu.memref_slice %arg6[%dma_start3A_93, %dma_start3A_95, %dma_start3A_96] : memref<8x128x64xf32, #tpu.memory_space<vmem>> -> memref<1x128x64xf32, #tpu.memory_space<vmem>>
    %dma_start3A_98 = tpu.memref_squeeze %dma_start3A_97 : memref<1x128x64xf32, #tpu.memory_space<vmem>> -> memref<128x64xf32, #tpu.memory_space<vmem>>
    %dma_start3A_99 = arith.constant 0 : i32
    %dma_start3A_100 = tpu.memref_slice %arg5[%dma_start3A_92, %dma_start3A_99] : memref<200x128xi32, #tpu.memory_space<vmem>> -> memref<1x128xi32, #tpu.memory_space<vmem>>
    %dma_start3A_101 = tpu.memref_squeeze %dma_start3A_100 : memref<1x128xi32, #tpu.memory_space<vmem>> -> memref<128xi32, #tpu.memory_space<vmem>>
    %dma_start3A_102 = arith.constant 0 : i32
    %dma_start3A_103 = arith.constant 0 : i32
    %dma_start3A_104 = tpu.memref_slice %arg3[%dma_start3A_102, %dma_start3A_103] : memref<2000000x64xf32, #tpu.memory_space<hbm>> -> memref<2000000x64xf32, #tpu.memory_space<hbm>>
    %dma_start3A_105 = tpu.memref_slice %arg7[%dma_start3A_94] : memref<8x!tpu.dma_semaphore, #tpu.memory_space<semaphore_mem>> -> memref<1x!tpu.dma_semaphore, #tpu.memory_space<semaphore_mem>>
    %dma_start3A_106 = tpu.memref_squeeze %dma_start3A_105 : memref<1x!tpu.dma_semaphore, #tpu.memory_space<semaphore_mem>> -> memref<!tpu.dma_semaphore, #tpu.memory_space<semaphore_mem>>
    tpu.enqueue_indirect_dma source(%dma_start3A_104 : memref<2000000x64xf32, #tpu.memory_space<hbm>>) target(%dma_start3A_98 : memref<128x64xf32, #tpu.memory_space<vmem>>) offsets(%dma_start3A_101 : memref<128xi32, #tpu.memory_space<vmem>>) semaphore(%dma_start3A_106 : memref<!tpu.dma_semaphore, #tpu.memory_space<semaphore_mem>>)
    %dma_start3A_107 = arith.constant 7 : i32
    %dma_start3A_108 = arith.constant 7 : i32
    %dma_start3A_109 = arith.constant 7 : i32
    %dma_start3A_110 = arith.constant 0 : i32
    %dma_start3A_111 = arith.constant 0 : i32
    %dma_start3A_112 = tpu.memref_slice %arg6[%dma_start3A_108, %dma_start3A_110, %dma_start3A_111] : memref<8x128x64xf32, #tpu.memory_space<vmem>> -> memref<1x128x64xf32, #tpu.memory_space<vmem>>
    %dma_start3A_113 = tpu.memref_squeeze %dma_start3A_112 : memref<1x128x64xf32, #tpu.memory_space<vmem>> -> memref<128x64xf32, #tpu.memory_space<vmem>>
    %dma_start3A_114 = arith.constant 0 : i32
    %dma_start3A_115 = tpu.memref_slice %arg5[%dma_start3A_107, %dma_start3A_114] : memref<200x128xi32, #tpu.memory_space<vmem>> -> memref<1x128xi32, #tpu.memory_space<vmem>>
    %dma_start3A_116 = tpu.memref_squeeze %dma_start3A_115 : memref<1x128xi32, #tpu.memory_space<vmem>> -> memref<128xi32, #tpu.memory_space<vmem>>
    %dma_start3A_117 = arith.constant 0 : i32
    %dma_start3A_118 = arith.constant 0 : i32
    %dma_start3A_119 = tpu.memref_slice %arg3[%dma_start3A_117, %dma_start3A_118] : memref<2000000x64xf32, #tpu.memory_space<hbm>> -> memref<2000000x64xf32, #tpu.memory_space<hbm>>
    %dma_start3A_120 = tpu.memref_slice %arg7[%dma_start3A_109] : memref<8x!tpu.dma_semaphore, #tpu.memory_space<semaphore_mem>> -> memref<1x!tpu.dma_semaphore, #tpu.memory_space<semaphore_mem>>
    %dma_start3A_121 = tpu.memref_squeeze %dma_start3A_120 : memref<1x!tpu.dma_semaphore, #tpu.memory_space<semaphore_mem>> -> memref<!tpu.dma_semaphore, #tpu.memory_space<semaphore_mem>>
    tpu.enqueue_indirect_dma source(%dma_start3A_119 : memref<2000000x64xf32, #tpu.memory_space<hbm>>) target(%dma_start3A_113 : memref<128x64xf32, #tpu.memory_space<vmem>>) offsets(%dma_start3A_116 : memref<128xi32, #tpu.memory_space<vmem>>) semaphore(%dma_start3A_121 : memref<!tpu.dma_semaphore, #tpu.memory_space<semaphore_mem>>)
    %scan3A = arith.constant 0 : i32
    %scan3A_122 = arith.constant 0 : i32
    %scan3A_123 = arith.constant 200 : i32
    %scan3A_124 = arith.addi %scan3A_122, %scan3A_123 : i32
    %scan3A_125 = arith.constant 1 : i32
    scf.for %scan3A_270 = %scan3A_122 to %scan3A_124 step %scan3A_125  : i32 {
      %rem3A = arith.constant 8 : i32
      %rem3A_271 = arith.remsi %scan3A_270, %rem3A : i32
      %add3A_272 = arith.addi %mul3A_2, %scan3A_270 : i32
      %mul3A_273 = arith.constant 128 : i32
      %mul3A_274 = arith.muli %add3A_272, %mul3A_273 : i32
      %dma_wait3A_275 = arith.constant 0 : i32
      %dma_wait3A_276 = arith.constant 0 : i32
      %dma_wait3A_277 = tpu.memref_slice %arg6[%rem3A_271, %dma_wait3A_275, %dma_wait3A_276] : memref<8x128x64xf32, #tpu.memory_space<vmem>> -> memref<1x128x64xf32, #tpu.memory_space<vmem>>
      %dma_wait3A_278 = tpu.memref_squeeze %dma_wait3A_277 : memref<1x128x64xf32, #tpu.memory_space<vmem>> -> memref<128x64xf32, #tpu.memory_space<vmem>>
      %dma_wait3A_279 = arith.constant 0 : i32
      %dma_wait3A_280 = tpu.memref_slice %arg5[%scan3A_270, %dma_wait3A_279] : memref<200x128xi32, #tpu.memory_space<vmem>> -> memref<1x128xi32, #tpu.memory_space<vmem>>
      %dma_wait3A_281 = tpu.memref_squeeze %dma_wait3A_280 : memref<1x128xi32, #tpu.memory_space<vmem>> -> memref<128xi32, #tpu.memory_space<vmem>>
      %dma_wait3A_282 = arith.constant 0 : i32
      %dma_wait3A_283 = arith.constant 0 : i32
      %dma_wait3A_284 = tpu.memref_slice %arg3[%dma_wait3A_282, %dma_wait3A_283] : memref<2000000x64xf32, #tpu.memory_space<hbm>> -> memref<2000000x64xf32, #tpu.memory_space<hbm>>
      %dma_wait3A_285 = tpu.memref_slice %arg7[%rem3A_271] : memref<8x!tpu.dma_semaphore, #tpu.memory_space<semaphore_mem>> -> memref<1x!tpu.dma_semaphore, #tpu.memory_space<semaphore_mem>>
      %dma_wait3A_286 = tpu.memref_squeeze %dma_wait3A_285 : memref<1x!tpu.dma_semaphore, #tpu.memory_space<semaphore_mem>> -> memref<!tpu.dma_semaphore, #tpu.memory_space<semaphore_mem>>
      tpu.wait_indirect_dma semaphore(%dma_wait3A_286 : memref<!tpu.dma_semaphore, #tpu.memory_space<semaphore_mem>>) src(%dma_wait3A_284 : memref<2000000x64xf32, #tpu.memory_space<hbm>>) dst(%dma_wait3A_278 : memref<128x64xf32, #tpu.memory_space<vmem>>)
      %dma_start3A_287 = arith.constant 0 : i32
      %dma_start3A_288 = arith.constant 0 : i32
      %dma_start3A_289 = tpu.memref_slice %arg6[%rem3A_271, %dma_start3A_287, %dma_start3A_288] : memref<8x128x64xf32, #tpu.memory_space<vmem>> -> memref<1x128x64xf32, #tpu.memory_space<vmem>>
      %dma_start3A_290 = tpu.memref_squeeze %dma_start3A_289 : memref<1x128x64xf32, #tpu.memory_space<vmem>> -> memref<128x64xf32, #tpu.memory_space<vmem>>
      %dma_start3A_291 = arith.constant 0 : i32
      %dma_start3A_292 = tpu.memref_slice %arg4[%mul3A_274, %dma_start3A_291] : memref<819200x128xf32, #tpu.memory_space<hbm>> -> memref<128x64xf32, #tpu.memory_space<hbm>>
      %dma_start3A_293 = tpu.memref_slice %arg8[%rem3A_271] : memref<8x!tpu.dma_semaphore, #tpu.memory_space<semaphore_mem>> -> memref<1x!tpu.dma_semaphore, #tpu.memory_space<semaphore_mem>>
      %dma_start3A_294 = tpu.memref_squeeze %dma_start3A_293 : memref<1x!tpu.dma_semaphore, #tpu.memory_space<semaphore_mem>> -> memref<!tpu.dma_semaphore, #tpu.memory_space<semaphore_mem>>
      %dma_start3A_295 = arith.constant 0 : i32
      %dma_start3A_296 = tpu.memref_slice %arg4[%mul3A_274, %dma_start3A_295] : memref<819200x128xf32, #tpu.memory_space<hbm>> -> memref<128x64xf32, #tpu.memory_space<hbm>>
      %dma_start3A_297 = arith.constant 0 : i32
      %dma_start3A_298 = arith.constant 0 : i32
      %dma_start3A_299 = tpu.memref_slice %arg6[%rem3A_271, %dma_start3A_297, %dma_start3A_298] : memref<8x128x64xf32, #tpu.memory_space<vmem>> -> memref<1x128x64xf32, #tpu.memory_space<vmem>>
      %dma_start3A_300 = tpu.memref_squeeze %dma_start3A_299 : memref<1x128x64xf32, #tpu.memory_space<vmem>> -> memref<128x64xf32, #tpu.memory_space<vmem>>
      tpu.enqueue_dma source(%dma_start3A_300 : memref<128x64xf32, #tpu.memory_space<vmem>>) target(%dma_start3A_296 : memref<128x64xf32, #tpu.memory_space<hbm>>) target_semaphore(%dma_start3A_294 : memref<!tpu.dma_semaphore, #tpu.memory_space<semaphore_mem>>)
      %ge3A = arith.constant 2 : i32
      %ge3A_301 = arith.cmpi sge, %scan3A_270, %ge3A : i32
      %add3A_302 = arith.constant 8 : i32
      %add3A_303 = arith.addi %scan3A_270, %add3A_302 : i32
      %sub3A = arith.constant 2 : i32
      %sub3A_304 = arith.subi %add3A_303, %sub3A : i32
      %lt3A = arith.constant 200 : i32
      %lt3A_305 = arith.cmpi slt, %sub3A_304, %lt3A : i32
      %and3A = arith.andi %ge3A_301, %lt3A_305 : i1
      %convert_element_type3A = arith.extui %and3A : i1 to i32
      %cond3A = arith.constant 0 : i32
      %cond3A_306 = arith.cmpi ne, %convert_element_type3A, %cond3A : i32
      scf.if %cond3A_306 {
        %sub3A_307 = arith.constant 2 : i32
        %sub3A_308 = arith.subi %scan3A_270, %sub3A_307 : i32
        %rem3A_309 = arith.constant 8 : i32
        %rem3A_310 = arith.remsi %sub3A_308, %rem3A_309 : i32
        %dma_wait3A_311 = arith.constant 0 : i32
        %dma_wait3A_312 = arith.constant 0 : i32
        %dma_wait3A_313 = tpu.memref_slice %arg6[%rem3A_310, %dma_wait3A_311, %dma_wait3A_312] : memref<8x128x64xf32, #tpu.memory_space<vmem>> -> memref<1x128x64xf32, #tpu.memory_space<vmem>>
        %dma_wait3A_314 = tpu.memref_squeeze %dma_wait3A_313 : memref<1x128x64xf32, #tpu.memory_space<vmem>> -> memref<128x64xf32, #tpu.memory_space<vmem>>
        %dma_wait3A_315 = arith.constant 0 : i32
        %dma_wait3A_316 = tpu.memref_slice %arg4[%mul3A_274, %dma_wait3A_315] : memref<819200x128xf32, #tpu.memory_space<hbm>> -> memref<128x64xf32, #tpu.memory_space<hbm>>
        %dma_wait3A_317 = tpu.memref_slice %arg8[%rem3A_310] : memref<8x!tpu.dma_semaphore, #tpu.memory_space<semaphore_mem>> -> memref<1x!tpu.dma_semaphore, #tpu.memory_space<semaphore_mem>>
        %dma_wait3A_318 = tpu.memref_squeeze %dma_wait3A_317 : memref<1x!tpu.dma_semaphore, #tpu.memory_space<semaphore_mem>> -> memref<!tpu.dma_semaphore, #tpu.memory_space<semaphore_mem>>
        %dma_wait3A_319 = arith.constant 0 : i32
        %dma_wait3A_320 = tpu.memref_slice %arg4[%mul3A_274, %dma_wait3A_319] : memref<819200x128xf32, #tpu.memory_space<hbm>> -> memref<128x64xf32, #tpu.memory_space<hbm>>
        %dma_wait3A_321 = arith.constant 0 : i32
        %dma_wait3A_322 = arith.constant 0 : i32
        %dma_wait3A_323 = tpu.memref_slice %arg6[%rem3A_310, %dma_wait3A_321, %dma_wait3A_322] : memref<8x128x64xf32, #tpu.memory_space<vmem>> -> memref<1x128x64xf32, #tpu.memory_space<vmem>>
        %dma_wait3A_324 = tpu.memref_squeeze %dma_wait3A_323 : memref<1x128x64xf32, #tpu.memory_space<vmem>> -> memref<128x64xf32, #tpu.memory_space<vmem>>
        tpu.wait_dma2 semaphore(%dma_wait3A_318 : memref<!tpu.dma_semaphore, #tpu.memory_space<semaphore_mem>>) src(%dma_wait3A_324 : memref<128x64xf32, #tpu.memory_space<vmem>>) dst(%dma_wait3A_320 : memref<128x64xf32, #tpu.memory_space<hbm>>)
        %add3A_325 = arith.constant 8 : i32
        %add3A_326 = arith.addi %scan3A_270, %add3A_325 : i32
        %sub3A_327 = arith.constant 2 : i32
        %sub3A_328 = arith.subi %add3A_326, %sub3A_327 : i32
        %dma_start3A_329 = arith.constant 0 : i32
        %dma_start3A_330 = arith.constant 0 : i32
        %dma_start3A_331 = tpu.memref_slice %arg6[%rem3A_310, %dma_start3A_329, %dma_start3A_330] : memref<8x128x64xf32, #tpu.memory_space<vmem>> -> memref<1x128x64xf32, #tpu.memory_space<vmem>>
        %dma_start3A_332 = tpu.memref_squeeze %dma_start3A_331 : memref<1x128x64xf32, #tpu.memory_space<vmem>> -> memref<128x64xf32, #tpu.memory_space<vmem>>
        %dma_start3A_333 = arith.constant 0 : i32
        %dma_start3A_334 = tpu.memref_slice %arg5[%sub3A_328, %dma_start3A_333] : memref<200x128xi32, #tpu.memory_space<vmem>> -> memref<1x128xi32, #tpu.memory_space<vmem>>
        %dma_start3A_335 = tpu.memref_squeeze %dma_start3A_334 : memref<1x128xi32, #tpu.memory_space<vmem>> -> memref<128xi32, #tpu.memory_space<vmem>>
        %dma_start3A_336 = arith.constant 0 : i32
        %dma_start3A_337 = arith.constant 0 : i32
        %dma_start3A_338 = tpu.memref_slice %arg3[%dma_start3A_336, %dma_start3A_337] : memref<2000000x64xf32, #tpu.memory_space<hbm>> -> memref<2000000x64xf32, #tpu.memory_space<hbm>>
        %dma_start3A_339 = tpu.memref_slice %arg7[%rem3A_310] : memref<8x!tpu.dma_semaphore, #tpu.memory_space<semaphore_mem>> -> memref<1x!tpu.dma_semaphore, #tpu.memory_space<semaphore_mem>>
        %dma_start3A_340 = tpu.memref_squeeze %dma_start3A_339 : memref<1x!tpu.dma_semaphore, #tpu.memory_space<semaphore_mem>> -> memref<!tpu.dma_semaphore, #tpu.memory_space<semaphore_mem>>
        tpu.enqueue_indirect_dma source(%dma_start3A_338 : memref<2000000x64xf32, #tpu.memory_space<hbm>>) target(%dma_start3A_332 : memref<128x64xf32, #tpu.memory_space<vmem>>) offsets(%dma_start3A_335 : memref<128xi32, #tpu.memory_space<vmem>>) semaphore(%dma_start3A_340 : memref<!tpu.dma_semaphore, #tpu.memory_space<semaphore_mem>>)
      } else {
      }
    }
    %scan3A_126 = arith.constant 200 : i32
    %mul3A_127 = arith.constant 128 : i32
    %mul3A_128 = arith.muli %mul3A_2, %mul3A_127 : i32
    %dma_wait3A = arith.constant 0 : i32
    %dma_wait3A_129 = arith.constant 0 : i32
    %dma_wait3A_130 = arith.constant 0 : i32
    %dma_wait3A_131 = arith.constant 0 : i32
    %dma_wait3A_132 = tpu.memref_slice %arg6[%dma_wait3A, %dma_wait3A_130, %dma_wait3A_131] : memref<8x128x64xf32, #tpu.memory_space<vmem>> -> memref<1x128x64xf32, #tpu.memory_space<vmem>>
    %dma_wait3A_133 = tpu.memref_squeeze %dma_wait3A_132 : memref<1x128x64xf32, #tpu.memory_space<vmem>> -> memref<128x64xf32, #tpu.memory_space<vmem>>
    %dma_wait3A_134 = arith.constant 0 : i32
    %dma_wait3A_135 = tpu.memref_slice %arg4[%mul3A_128, %dma_wait3A_134] : memref<819200x128xf32, #tpu.memory_space<hbm>> -> memref<128x64xf32, #tpu.memory_space<hbm>>
    %dma_wait3A_136 = tpu.memref_slice %arg8[%dma_wait3A_129] : memref<8x!tpu.dma_semaphore, #tpu.memory_space<semaphore_mem>> -> memref<1x!tpu.dma_semaphore, #tpu.memory_space<semaphore_mem>>
    %dma_wait3A_137 = tpu.memref_squeeze %dma_wait3A_136 : memref<1x!tpu.dma_semaphore, #tpu.memory_space<semaphore_mem>> -> memref<!tpu.dma_semaphore, #tpu.memory_space<semaphore_mem>>
    %dma_wait3A_138 = arith.constant 0 : i32
    %dma_wait3A_139 = tpu.memref_slice %arg4[%mul3A_128, %dma_wait3A_138] : memref<819200x128xf32, #tpu.memory_space<hbm>> -> memref<128x64xf32, #tpu.memory_space<hbm>>
    %dma_wait3A_140 = arith.constant 0 : i32
    %dma_wait3A_141 = arith.constant 0 : i32
    %dma_wait3A_142 = tpu.memref_slice %arg6[%dma_wait3A, %dma_wait3A_140, %dma_wait3A_141] : memref<8x128x64xf32, #tpu.memory_space<vmem>> -> memref<1x128x64xf32, #tpu.memory_space<vmem>>
    %dma_wait3A_143 = tpu.memref_squeeze %dma_wait3A_142 : memref<1x128x64xf32, #tpu.memory_space<vmem>> -> memref<128x64xf32, #tpu.memory_space<vmem>>
    tpu.wait_dma2 semaphore(%dma_wait3A_137 : memref<!tpu.dma_semaphore, #tpu.memory_space<semaphore_mem>>) src(%dma_wait3A_143 : memref<128x64xf32, #tpu.memory_space<vmem>>) dst(%dma_wait3A_139 : memref<128x64xf32, #tpu.memory_space<hbm>>)
    %mul3A_144 = arith.constant 128 : i32
    %mul3A_145 = arith.muli %mul3A_2, %mul3A_144 : i32
    %dma_wait3A_146 = arith.constant 1 : i32
    %dma_wait3A_147 = arith.constant 1 : i32
    %dma_wait3A_148 = arith.constant 0 : i32
    %dma_wait3A_149 = arith.constant 0 : i32
    %dma_wait3A_150 = tpu.memref_slice %arg6[%dma_wait3A_146, %dma_wait3A_148, %dma_wait3A_149] : memref<8x128x64xf32, #tpu.memory_space<vmem>> -> memref<1x128x64xf32, #tpu.memory_space<vmem>>
    %dma_wait3A_151 = tpu.memref_squeeze %dma_wait3A_150 : memref<1x128x64xf32, #tpu.memory_space<vmem>> -> memref<128x64xf32, #tpu.memory_space<vmem>>
    %dma_wait3A_152 = arith.constant 0 : i32
    %dma_wait3A_153 = tpu.memref_slice %arg4[%mul3A_145, %dma_wait3A_152] : memref<819200x128xf32, #tpu.memory_space<hbm>> -> memref<128x64xf32, #tpu.memory_space<hbm>>
    %dma_wait3A_154 = tpu.memref_slice %arg8[%dma_wait3A_147] : memref<8x!tpu.dma_semaphore, #tpu.memory_space<semaphore_mem>> -> memref<1x!tpu.dma_semaphore, #tpu.memory_space<semaphore_mem>>
    %dma_wait3A_155 = tpu.memref_squeeze %dma_wait3A_154 : memref<1x!tpu.dma_semaphore, #tpu.memory_space<semaphore_mem>> -> memref<!tpu.dma_semaphore, #tpu.memory_space<semaphore_mem>>
    %dma_wait3A_156 = arith.constant 0 : i32
    %dma_wait3A_157 = tpu.memref_slice %arg4[%mul3A_145, %dma_wait3A_156] : memref<819200x128xf32, #tpu.memory_space<hbm>> -> memref<128x64xf32, #tpu.memory_space<hbm>>
    %dma_wait3A_158 = arith.constant 0 : i32
    %dma_wait3A_159 = arith.constant 0 : i32
    %dma_wait3A_160 = tpu.memref_slice %arg6[%dma_wait3A_146, %dma_wait3A_158, %dma_wait3A_159] : memref<8x128x64xf32, #tpu.memory_space<vmem>> -> memref<1x128x64xf32, #tpu.memory_space<vmem>>
    %dma_wait3A_161 = tpu.memref_squeeze %dma_wait3A_160 : memref<1x128x64xf32, #tpu.memory_space<vmem>> -> memref<128x64xf32, #tpu.memory_space<vmem>>
    tpu.wait_dma2 semaphore(%dma_wait3A_155 : memref<!tpu.dma_semaphore, #tpu.memory_space<semaphore_mem>>) src(%dma_wait3A_161 : memref<128x64xf32, #tpu.memory_space<vmem>>) dst(%dma_wait3A_157 : memref<128x64xf32, #tpu.memory_space<hbm>>)
    %mul3A_162 = arith.constant 128 : i32
    %mul3A_163 = arith.muli %mul3A_2, %mul3A_162 : i32
    %dma_wait3A_164 = arith.constant 2 : i32
    %dma_wait3A_165 = arith.constant 2 : i32
    %dma_wait3A_166 = arith.constant 0 : i32
    %dma_wait3A_167 = arith.constant 0 : i32
    %dma_wait3A_168 = tpu.memref_slice %arg6[%dma_wait3A_164, %dma_wait3A_166, %dma_wait3A_167] : memref<8x128x64xf32, #tpu.memory_space<vmem>> -> memref<1x128x64xf32, #tpu.memory_space<vmem>>
    %dma_wait3A_169 = tpu.memref_squeeze %dma_wait3A_168 : memref<1x128x64xf32, #tpu.memory_space<vmem>> -> memref<128x64xf32, #tpu.memory_space<vmem>>
    %dma_wait3A_170 = arith.constant 0 : i32
    %dma_wait3A_171 = tpu.memref_slice %arg4[%mul3A_163, %dma_wait3A_170] : memref<819200x128xf32, #tpu.memory_space<hbm>> -> memref<128x64xf32, #tpu.memory_space<hbm>>
    %dma_wait3A_172 = tpu.memref_slice %arg8[%dma_wait3A_165] : memref<8x!tpu.dma_semaphore, #tpu.memory_space<semaphore_mem>> -> memref<1x!tpu.dma_semaphore, #tpu.memory_space<semaphore_mem>>
    %dma_wait3A_173 = tpu.memref_squeeze %dma_wait3A_172 : memref<1x!tpu.dma_semaphore, #tpu.memory_space<semaphore_mem>> -> memref<!tpu.dma_semaphore, #tpu.memory_space<semaphore_mem>>
    %dma_wait3A_174 = arith.constant 0 : i32
    %dma_wait3A_175 = tpu.memref_slice %arg4[%mul3A_163, %dma_wait3A_174] : memref<819200x128xf32, #tpu.memory_space<hbm>> -> memref<128x64xf32, #tpu.memory_space<hbm>>
    %dma_wait3A_176 = arith.constant 0 : i32
    %dma_wait3A_177 = arith.constant 0 : i32
    %dma_wait3A_178 = tpu.memref_slice %arg6[%dma_wait3A_164, %dma_wait3A_176, %dma_wait3A_177] : memref<8x128x64xf32, #tpu.memory_space<vmem>> -> memref<1x128x64xf32, #tpu.memory_space<vmem>>
    %dma_wait3A_179 = tpu.memref_squeeze %dma_wait3A_178 : memref<1x128x64xf32, #tpu.memory_space<vmem>> -> memref<128x64xf32, #tpu.memory_space<vmem>>
    tpu.wait_dma2 semaphore(%dma_wait3A_173 : memref<!tpu.dma_semaphore, #tpu.memory_space<semaphore_mem>>) src(%dma_wait3A_179 : memref<128x64xf32, #tpu.memory_space<vmem>>) dst(%dma_wait3A_175 : memref<128x64xf32, #tpu.memory_space<hbm>>)
    %mul3A_180 = arith.constant 128 : i32
    %mul3A_181 = arith.muli %mul3A_2, %mul3A_180 : i32
    %dma_wait3A_182 = arith.constant 3 : i32
    %dma_wait3A_183 = arith.constant 3 : i32
    %dma_wait3A_184 = arith.constant 0 : i32
    %dma_wait3A_185 = arith.constant 0 : i32
    %dma_wait3A_186 = tpu.memref_slice %arg6[%dma_wait3A_182, %dma_wait3A_184, %dma_wait3A_185] : memref<8x128x64xf32, #tpu.memory_space<vmem>> -> memref<1x128x64xf32, #tpu.memory_space<vmem>>
    %dma_wait3A_187 = tpu.memref_squeeze %dma_wait3A_186 : memref<1x128x64xf32, #tpu.memory_space<vmem>> -> memref<128x64xf32, #tpu.memory_space<vmem>>
    %dma_wait3A_188 = arith.constant 0 : i32
    %dma_wait3A_189 = tpu.memref_slice %arg4[%mul3A_181, %dma_wait3A_188] : memref<819200x128xf32, #tpu.memory_space<hbm>> -> memref<128x64xf32, #tpu.memory_space<hbm>>
    %dma_wait3A_190 = tpu.memref_slice %arg8[%dma_wait3A_183] : memref<8x!tpu.dma_semaphore, #tpu.memory_space<semaphore_mem>> -> memref<1x!tpu.dma_semaphore, #tpu.memory_space<semaphore_mem>>
    %dma_wait3A_191 = tpu.memref_squeeze %dma_wait3A_190 : memref<1x!tpu.dma_semaphore, #tpu.memory_space<semaphore_mem>> -> memref<!tpu.dma_semaphore, #tpu.memory_space<semaphore_mem>>
    %dma_wait3A_192 = arith.constant 0 : i32
    %dma_wait3A_193 = tpu.memref_slice %arg4[%mul3A_181, %dma_wait3A_192] : memref<819200x128xf32, #tpu.memory_space<hbm>> -> memref<128x64xf32, #tpu.memory_space<hbm>>
    %dma_wait3A_194 = arith.constant 0 : i32
    %dma_wait3A_195 = arith.constant 0 : i32
    %dma_wait3A_196 = tpu.memref_slice %arg6[%dma_wait3A_182, %dma_wait3A_194, %dma_wait3A_195] : memref<8x128x64xf32, #tpu.memory_space<vmem>> -> memref<1x128x64xf32, #tpu.memory_space<vmem>>
    %dma_wait3A_197 = tpu.memref_squeeze %dma_wait3A_196 : memref<1x128x64xf32, #tpu.memory_space<vmem>> -> memref<128x64xf32, #tpu.memory_space<vmem>>
    tpu.wait_dma2 semaphore(%dma_wait3A_191 : memref<!tpu.dma_semaphore, #tpu.memory_space<semaphore_mem>>) src(%dma_wait3A_197 : memref<128x64xf32, #tpu.memory_space<vmem>>) dst(%dma_wait3A_193 : memref<128x64xf32, #tpu.memory_space<hbm>>)
    %mul3A_198 = arith.constant 128 : i32
    %mul3A_199 = arith.muli %mul3A_2, %mul3A_198 : i32
    %dma_wait3A_200 = arith.constant 4 : i32
    %dma_wait3A_201 = arith.constant 4 : i32
    %dma_wait3A_202 = arith.constant 0 : i32
    %dma_wait3A_203 = arith.constant 0 : i32
    %dma_wait3A_204 = tpu.memref_slice %arg6[%dma_wait3A_200, %dma_wait3A_202, %dma_wait3A_203] : memref<8x128x64xf32, #tpu.memory_space<vmem>> -> memref<1x128x64xf32, #tpu.memory_space<vmem>>
    %dma_wait3A_205 = tpu.memref_squeeze %dma_wait3A_204 : memref<1x128x64xf32, #tpu.memory_space<vmem>> -> memref<128x64xf32, #tpu.memory_space<vmem>>
    %dma_wait3A_206 = arith.constant 0 : i32
    %dma_wait3A_207 = tpu.memref_slice %arg4[%mul3A_199, %dma_wait3A_206] : memref<819200x128xf32, #tpu.memory_space<hbm>> -> memref<128x64xf32, #tpu.memory_space<hbm>>
    %dma_wait3A_208 = tpu.memref_slice %arg8[%dma_wait3A_201] : memref<8x!tpu.dma_semaphore, #tpu.memory_space<semaphore_mem>> -> memref<1x!tpu.dma_semaphore, #tpu.memory_space<semaphore_mem>>
    %dma_wait3A_209 = tpu.memref_squeeze %dma_wait3A_208 : memref<1x!tpu.dma_semaphore, #tpu.memory_space<semaphore_mem>> -> memref<!tpu.dma_semaphore, #tpu.memory_space<semaphore_mem>>
    %dma_wait3A_210 = arith.constant 0 : i32
    %dma_wait3A_211 = tpu.memref_slice %arg4[%mul3A_199, %dma_wait3A_210] : memref<819200x128xf32, #tpu.memory_space<hbm>> -> memref<128x64xf32, #tpu.memory_space<hbm>>
    %dma_wait3A_212 = arith.constant 0 : i32
    %dma_wait3A_213 = arith.constant 0 : i32
    %dma_wait3A_214 = tpu.memref_slice %arg6[%dma_wait3A_200, %dma_wait3A_212, %dma_wait3A_213] : memref<8x128x64xf32, #tpu.memory_space<vmem>> -> memref<1x128x64xf32, #tpu.memory_space<vmem>>
    %dma_wait3A_215 = tpu.memref_squeeze %dma_wait3A_214 : memref<1x128x64xf32, #tpu.memory_space<vmem>> -> memref<128x64xf32, #tpu.memory_space<vmem>>
    tpu.wait_dma2 semaphore(%dma_wait3A_209 : memref<!tpu.dma_semaphore, #tpu.memory_space<semaphore_mem>>) src(%dma_wait3A_215 : memref<128x64xf32, #tpu.memory_space<vmem>>) dst(%dma_wait3A_211 : memref<128x64xf32, #tpu.memory_space<hbm>>)
    %mul3A_216 = arith.constant 128 : i32
    %mul3A_217 = arith.muli %mul3A_2, %mul3A_216 : i32
    %dma_wait3A_218 = arith.constant 5 : i32
    %dma_wait3A_219 = arith.constant 5 : i32
    %dma_wait3A_220 = arith.constant 0 : i32
    %dma_wait3A_221 = arith.constant 0 : i32
    %dma_wait3A_222 = tpu.memref_slice %arg6[%dma_wait3A_218, %dma_wait3A_220, %dma_wait3A_221] : memref<8x128x64xf32, #tpu.memory_space<vmem>> -> memref<1x128x64xf32, #tpu.memory_space<vmem>>
    %dma_wait3A_223 = tpu.memref_squeeze %dma_wait3A_222 : memref<1x128x64xf32, #tpu.memory_space<vmem>> -> memref<128x64xf32, #tpu.memory_space<vmem>>
    %dma_wait3A_224 = arith.constant 0 : i32
    %dma_wait3A_225 = tpu.memref_slice %arg4[%mul3A_217, %dma_wait3A_224] : memref<819200x128xf32, #tpu.memory_space<hbm>> -> memref<128x64xf32, #tpu.memory_space<hbm>>
    %dma_wait3A_226 = tpu.memref_slice %arg8[%dma_wait3A_219] : memref<8x!tpu.dma_semaphore, #tpu.memory_space<semaphore_mem>> -> memref<1x!tpu.dma_semaphore, #tpu.memory_space<semaphore_mem>>
    %dma_wait3A_227 = tpu.memref_squeeze %dma_wait3A_226 : memref<1x!tpu.dma_semaphore, #tpu.memory_space<semaphore_mem>> -> memref<!tpu.dma_semaphore, #tpu.memory_space<semaphore_mem>>
    %dma_wait3A_228 = arith.constant 0 : i32
    %dma_wait3A_229 = tpu.memref_slice %arg4[%mul3A_217, %dma_wait3A_228] : memref<819200x128xf32, #tpu.memory_space<hbm>> -> memref<128x64xf32, #tpu.memory_space<hbm>>
    %dma_wait3A_230 = arith.constant 0 : i32
    %dma_wait3A_231 = arith.constant 0 : i32
    %dma_wait3A_232 = tpu.memref_slice %arg6[%dma_wait3A_218, %dma_wait3A_230, %dma_wait3A_231] : memref<8x128x64xf32, #tpu.memory_space<vmem>> -> memref<1x128x64xf32, #tpu.memory_space<vmem>>
    %dma_wait3A_233 = tpu.memref_squeeze %dma_wait3A_232 : memref<1x128x64xf32, #tpu.memory_space<vmem>> -> memref<128x64xf32, #tpu.memory_space<vmem>>
    tpu.wait_dma2 semaphore(%dma_wait3A_227 : memref<!tpu.dma_semaphore, #tpu.memory_space<semaphore_mem>>) src(%dma_wait3A_233 : memref<128x64xf32, #tpu.memory_space<vmem>>) dst(%dma_wait3A_229 : memref<128x64xf32, #tpu.memory_space<hbm>>)
    %mul3A_234 = arith.constant 128 : i32
    %mul3A_235 = arith.muli %mul3A_2, %mul3A_234 : i32
    %dma_wait3A_236 = arith.constant 6 : i32
    %dma_wait3A_237 = arith.constant 6 : i32
    %dma_wait3A_238 = arith.constant 0 : i32
    %dma_wait3A_239 = arith.constant 0 : i32
    %dma_wait3A_240 = tpu.memref_slice %arg6[%dma_wait3A_236, %dma_wait3A_238, %dma_wait3A_239] : memref<8x128x64xf32, #tpu.memory_space<vmem>> -> memref<1x128x64xf32, #tpu.memory_space<vmem>>
    %dma_wait3A_241 = tpu.memref_squeeze %dma_wait3A_240 : memref<1x128x64xf32, #tpu.memory_space<vmem>> -> memref<128x64xf32, #tpu.memory_space<vmem>>
    %dma_wait3A_242 = arith.constant 0 : i32
    %dma_wait3A_243 = tpu.memref_slice %arg4[%mul3A_235, %dma_wait3A_242] : memref<819200x128xf32, #tpu.memory_space<hbm>> -> memref<128x64xf32, #tpu.memory_space<hbm>>
    %dma_wait3A_244 = tpu.memref_slice %arg8[%dma_wait3A_237] : memref<8x!tpu.dma_semaphore, #tpu.memory_space<semaphore_mem>> -> memref<1x!tpu.dma_semaphore, #tpu.memory_space<semaphore_mem>>
    %dma_wait3A_245 = tpu.memref_squeeze %dma_wait3A_244 : memref<1x!tpu.dma_semaphore, #tpu.memory_space<semaphore_mem>> -> memref<!tpu.dma_semaphore, #tpu.memory_space<semaphore_mem>>
    %dma_wait3A_246 = arith.constant 0 : i32
    %dma_wait3A_247 = tpu.memref_slice %arg4[%mul3A_235, %dma_wait3A_246] : memref<819200x128xf32, #tpu.memory_space<hbm>> -> memref<128x64xf32, #tpu.memory_space<hbm>>
    %dma_wait3A_248 = arith.constant 0 : i32
    %dma_wait3A_249 = arith.constant 0 : i32
    %dma_wait3A_250 = tpu.memref_slice %arg6[%dma_wait3A_236, %dma_wait3A_248, %dma_wait3A_249] : memref<8x128x64xf32, #tpu.memory_space<vmem>> -> memref<1x128x64xf32, #tpu.memory_space<vmem>>
    %dma_wait3A_251 = tpu.memref_squeeze %dma_wait3A_250 : memref<1x128x64xf32, #tpu.memory_space<vmem>> -> memref<128x64xf32, #tpu.memory_space<vmem>>
    tpu.wait_dma2 semaphore(%dma_wait3A_245 : memref<!tpu.dma_semaphore, #tpu.memory_space<semaphore_mem>>) src(%dma_wait3A_251 : memref<128x64xf32, #tpu.memory_space<vmem>>) dst(%dma_wait3A_247 : memref<128x64xf32, #tpu.memory_space<hbm>>)
    %mul3A_252 = arith.constant 128 : i32
    %mul3A_253 = arith.muli %mul3A_2, %mul3A_252 : i32
    %dma_wait3A_254 = arith.constant 7 : i32
    %dma_wait3A_255 = arith.constant 7 : i32
    %dma_wait3A_256 = arith.constant 0 : i32
    %dma_wait3A_257 = arith.constant 0 : i32
    %dma_wait3A_258 = tpu.memref_slice %arg6[%dma_wait3A_254, %dma_wait3A_256, %dma_wait3A_257] : memref<8x128x64xf32, #tpu.memory_space<vmem>> -> memref<1x128x64xf32, #tpu.memory_space<vmem>>
    %dma_wait3A_259 = tpu.memref_squeeze %dma_wait3A_258 : memref<1x128x64xf32, #tpu.memory_space<vmem>> -> memref<128x64xf32, #tpu.memory_space<vmem>>
    %dma_wait3A_260 = arith.constant 0 : i32
    %dma_wait3A_261 = tpu.memref_slice %arg4[%mul3A_253, %dma_wait3A_260] : memref<819200x128xf32, #tpu.memory_space<hbm>> -> memref<128x64xf32, #tpu.memory_space<hbm>>
    %dma_wait3A_262 = tpu.memref_slice %arg8[%dma_wait3A_255] : memref<8x!tpu.dma_semaphore, #tpu.memory_space<semaphore_mem>> -> memref<1x!tpu.dma_semaphore, #tpu.memory_space<semaphore_mem>>
    %dma_wait3A_263 = tpu.memref_squeeze %dma_wait3A_262 : memref<1x!tpu.dma_semaphore, #tpu.memory_space<semaphore_mem>> -> memref<!tpu.dma_semaphore, #tpu.memory_space<semaphore_mem>>
    %dma_wait3A_264 = arith.constant 0 : i32
    %dma_wait3A_265 = tpu.memref_slice %arg4[%mul3A_253, %dma_wait3A_264] : memref<819200x128xf32, #tpu.memory_space<hbm>> -> memref<128x64xf32, #tpu.memory_space<hbm>>
    %dma_wait3A_266 = arith.constant 0 : i32
    %dma_wait3A_267 = arith.constant 0 : i32
    %dma_wait3A_268 = tpu.memref_slice %arg6[%dma_wait3A_254, %dma_wait3A_266, %dma_wait3A_267] : memref<8x128x64xf32, #tpu.memory_space<vmem>> -> memref<1x128x64xf32, #tpu.memory_space<vmem>>
    %dma_wait3A_269 = tpu.memref_squeeze %dma_wait3A_268 : memref<1x128x64xf32, #tpu.memory_space<vmem>> -> memref<128x64xf32, #tpu.memory_space<vmem>>
    tpu.wait_dma2 semaphore(%dma_wait3A_263 : memref<!tpu.dma_semaphore, #tpu.memory_space<semaphore_mem>>) src(%dma_wait3A_269 : memref<128x64xf32, #tpu.memory_space<vmem>>) dst(%dma_wait3A_265 : memref<128x64xf32, #tpu.memory_space<hbm>>)
    return
  }
}

</mosaic_0001>

<sc_bundles>
// kernel: kernel.3.cloned.1.call-start
scs
__scs_entry_jumppad:
0x0: {  	(pc) =	sbr.rel $0x88, $3  }
0x1: {  	(tag) =	ssettag $0x0;
	lr =	simm.s32 $0x1  }
0x2: {  	[smem:$0x3F9F] =	sst lr;
	_ =	strace $0xD0000000  }
0x3: {  	_ = 	snop  }
0x4: {  	_ = 	snop  }
0x5: {  	_ = 	snop  }
0x6: {  	_ = 	snop  }
0x7: {  	_ = 	snop  }
__scs_overlays_trampoline_lowered:
0x8: {  	[smem:$0x3FAE] =	sst s0  }
0x9: {  	[smem:$0x3FAF] =	sst s1  }
0xa: {  	[smem:$0x3FB0] =	sst s2  }
0xb: {  	[smem:$0x3FB1] =	sst s3  }
0xc: {  	[smem:$0x3FB2] =	sst s4  }
0xd: {  	[smem:$0x3FB3] =	sst s5  }
0xe: {  	[smem:$0x3FB4] =	sst s6  }
0xf: {  	[smem:$0x3FB5] =	sst s7  }
0x10: {  	[smem:$0x3FB6] =	sst s8  }
0x11: {  	[smem:$0x3FB7] =	sst s9;
	s0 =	simm.s32 @!p0 $0x0  }
0x12: {  	s1 =	sld [smem:$0x3F9D];
	s0 =	simm.s32 @p0 $0x1  }
0x13: {  	[smem:$0x3FB8] =	sst s0;
	s0 =	simm.s32 @!p1 $0x0  }
0x14: {  	s2 =	sld [smem:$0x3F9C];
	s0 =	simm.s32 @p1 $0x1  }
0x15: {  	[smem:$0x3FB9] =	sst s0;
	s0 =	simm.s32 @!p2 $0x0  }
0x16: {  	s3 =	sld [smem:$0x3FDB];
	s0 =	simm.s32 @p2 $0x1  }
0x17: {  	s4 =	simm.s32 $0x1BF5;
	[smem:$0x3FBB] =	sst s0  }
0x18: {  	s0 =	sld [smem:$0x3F9E];
	_ =	swait.ge [sflag:s4], $0x0  }
0x19: {  	s7 =	sld [smem:$0x3F9F]  }
0x1a: {  	s8 =	sadd.s32 $0xFFFFE003, lr  }
0x1b: {  	s9 =	sadd.s32 $0xFFFFFEF7, lr;
	s5 =	simm.s32 $0xFFFFFFFF;
	p2 =	slt.u32 s8, $0xFFFFF086  }
0x1c: {  	p1 =	slt.u32 s9, $0xF7A;
	s5 =	simm.s32 @!p2 $0x0  }
0x1d: {  	s5 =	simm.s32 @p1 $0x1;
	p0 =	seq.s32 s7, s2  }
0x1e: {  	s7 =	smul.u32 @!p0 $0xF7A, s2;
	p2 =	seq.s32 @!p0 s5, $0x0  }
0x1f: {  	s9 =	smul.u32 $0xF7A, s1;
	s8 =	simm.s32 @!p0 $0x1BF5;
	p2 =	por !p2, p0  }
0x20: {  	[sflag:s8] =	ssyncset.s32 @!p0 $0xFFFFF086;
	s6 =	sadd.s32 @!p0 s3, s7;
	s7 =	simm.s32 @!p0 $0x108  }
0x21: {  	s3 =	sadd.s32 s3, s9;
	s6 =	sadd.s32 @!p0 $0x88, s6;
	s7 =	simm.s32 @p2 $0x1082  }
0x22: {  	[simem:s7], [sflag:s8] =	dma.local @!p0 [hbm:s6], $0xF7A  }
0x23: {  	s9 =	sor.u32 $0xD0000000, s2;
	s6 =	simm.s32 $0x108;
	_ =	swait.ge @!p0 [sflag:s8], $0x0  }
0x24: {  	s3 =	sadd.s32 $0x88, s3;
	s6 =	simm.s32 @!p1 $0x1082;
	[sflag:s4] =	ssyncset.s32 $0xFFFFF086  }
0x25: {  	[simem:s6], [sflag:s4] =	dma.local [hbm:s3], $0xF7A  }
0x26: {  	[smem:$0x3F9F] =	sst s1;
	(tag) =	ssettag s2;
	_ =	strace s9  }
0x27: {  	s1 =	sld [smem:$0x3FAF]  }
0x28: {  	s2 =	sld [smem:$0x3FB0]  }
0x29: {  	s4 =	sld [smem:$0x3FB2]  }
0x2a: {  	p0 =	seq.s32 s5, $0x0;
	s5 =	sld [smem:$0x3FB3]  }
0x2b: {  	s6 =	sld [smem:$0x3FB4]  }
0x2c: {  	s7 =	sld [smem:$0x3FB5]  }
0x2d: {  	s3 =	simm.s32 $0x108;
	s8 =	sld [smem:$0x3FB6]  }
0x2e: {  	s3 =	simm.s32 @!p0 $0x1082;
	s9 =	sld [smem:$0x3FB7]  }
0x2f: {  	lr =	sadd.s32 s0, s3;
	s0 =	sld [smem:$0x3FAE]  }
0x30: {  	s3 =	sld [smem:$0x3FB1]  }
0x31: {  	[smem:$0x3FBA] =	sst s10  }
0x32: {  	s10 =	sld [smem:$0x3FB8];
	_ =	sdelay $0x3  }
0x33: {  	p0 =	seq.s32 s10, $0x1;
	s10 =	sld [smem:$0x3FBA];
	_ =	sdelay $0x3  }
0x34: {  	[smem:$0x3FBA] =	sst s10  }
0x35: {  	s10 =	sld [smem:$0x3FB9];
	_ =	sdelay $0x3  }
0x36: {  	p1 =	seq.s32 s10, $0x1;
	s10 =	sld [smem:$0x3FBA];
	_ =	sdelay $0x3  }
0x37: {  	[smem:$0x3FBA] =	sst s10  }
0x38: {  	s10 =	sld [smem:$0x3FBB]  }
0x39: {  	_ = 	snop;
	(pc) =	sbr.ind lr, $3  }
0x3a: {  	_ = 	snop  }
0x3b: {  	_ = 	snop  }
0x3c: {  	p2 =	seq.s32 s10, $0x1;
	s10 =	sld [smem:$0x3FBA]  }
0x3d: {  	_ =	shalt  }
0x3e: {  	_ =	shalt  }
0x3f: {  	_ =	shalt  }
0x40: {  	_ =	shalt  }
0x41: {  	_ =	shalt  }
0x42: {  	_ =	shalt  }
0x43: {  	_ =	shalt  }
0x44: {  	_ =	shalt  }
0x45: {  	_ =	shalt  }
0x46: {  	_ =	shalt  }
0x47: {  	_ =	shalt  }
0x48: {  	_ =	shalt  }
0x49: {  	_ =	shalt  }
0x4a: {  	_ =	shalt  }
0x4b: {  	_ =	shalt  }
0x4c: {  	_ =	shalt  }
0x4d: {  	_ =	shalt  }
0x4e: {  	_ =	shalt  }
0x4f: {  	_ =	shalt  }
0x50: {  	_ =	shalt  }
0x51: {  	_ =	shalt  }
0x52: {  	_ =	shalt  }
0x53: {  	_ =	shalt  }
0x54: {  	_ =	shalt  }
0x55: {  	_ =	shalt  }
0x56: {  	_ =	shalt  }
0x57: {  	_ =	shalt  }
0x58: {  	_ =	shalt  }
0x59: {  	_ =	shalt  }
0x5a: {  	_ =	shalt  }
0x5b: {  	_ =	shalt  }
0x5c: {  	_ =	shalt  }
0x5d: {  	_ =	shalt  }
0x5e: {  	_ =	shalt  }
0x5f: {  	_ =	shalt  }
0x60: {  	_ =	shalt  }
0x61: {  	_ =	shalt  }
0x62: {  	_ =	shalt  }
0x63: {  	_ =	shalt  }
0x64: {  	_ =	shalt  }
0x65: {  	_ =	shalt  }
0x66: {  	_ =	shalt  }
0x67: {  	_ =	shalt  }
0x68: {  	_ =	shalt  }
0x69: {  	_ =	shalt  }
0x6a: {  	_ =	shalt  }
0x6b: {  	_ =	shalt  }
0x6c: {  	_ =	shalt  }
0x6d: {  	_ =	shalt  }
0x6e: {  	_ =	shalt  }
0x6f: {  	_ =	shalt  }
0x70: {  	_ =	shalt  }
0x71: {  	_ =	shalt  }
0x72: {  	_ =	shalt  }
0x73: {  	_ =	shalt  }
0x74: {  	_ =	shalt  }
0x75: {  	_ =	shalt  }
0x76: {  	_ =	shalt  }
0x77: {  	_ =	shalt  }
0x78: {  	_ =	shalt  }
0x79: {  	_ =	shalt  }
0x7a: {  	_ =	shalt  }
0x7b: {  	_ =	shalt  }
0x7c: {  	_ =	shalt  }
0x7d: {  	_ =	shalt  }
0x7e: {  	_ =	shalt  }
0x7f: {  	_ =	shalt  }
0x80: {  	_ =	shalt  }
0x81: {  	_ =	shalt  }
0x82: {  	_ =	shalt  }
0x83: {  	_ =	shalt  }
0x84: {  	_ =	shalt  }
0x85: {  	_ =	shalt  }
0x86: {  	_ =	shalt  }
0x87: {  	_ =	shalt  }
.Lfunc_end0:
.L_simem_size_0:
called_computation.2_lowered:
.L_overlay_start_0:
0x88: {  	s2 =	sld [smem:$0x3FD9]  }
0x89: {  	s3 =	sld [smem:$0x3FFE];
	_ =	sdelay $0x1  }
0x8a: {  	s1 =	srdreg.scid  }
0x8b: {  	s0 =	sand.u32 $0x1, s1  }
0x8c: {  	s17 =	sshll.u32 s0, $0xA;
	s2 =	sadd.s32 s3, s2  }
0x8d: {  	s2 =	sadd.s32 s2, s17  }
0x8e: {  	[smem:$0x3FC6] =	sst s2  }
0x8f: {  	_ = 	snop  }
0x90: {  	s2 =	sld [smem:$0x3FD0];
	(tm) =	ssettm $0x1  }
0x91: {  	s18 =	sld [smem:$0x3FFB];
	_ =	sdelay $0x3  }
0x92: {  	_ =	strace s18  }
0x93: {  	s3 =	sld [smem:$0x3FFC];
	_ =	sdelay $0x3  }
0x94: {  	_ =	strace s3  }
0x95: {  	s3 =	sld [smem:$0x3FFD];
	_ =	sdelay $0x3  }
0x96: {  	_ =	strace s3  }
0x97: {  	_ =	strace $0x8FFFFFFF  }
0x98: {  	s19 =	sld [smem:$0x3FDB];
	_ =	sdelay $0x1  }
0x99: {  	s4 =	simm.s32 $_scs_section_size  }
0x9a: {  	s5 =	simm.s32 $_size__tile_overlayer_lowered;
	s6 =	simm.s32 $_tile_overlayer_lowered  }
0x9b: {  	s22 =	simm.s32 $0x1BFF;
	s21 =	sshll.u32 s6, $0x1;
	s3 =	sadd.s32 s4, s19  }
0x9c: {  	s7 =	simm.s32 $0x0;
	s20 =	sshll.u32 s5, $0x1;
	s5 =	sadd.s32 s21, s3  }
0x9d: {  	[timem:s7], [sflag:s22] =	dma.local [hbm:s5], s20  }
0x9e: {  	_ =	swait.ge [sflag:s22], s20  }
0x9f: {  	s4 =	ssub.s32 $0x0, s20;
	[sflag:s22] =	ssyncset.done $0x0  }
0xa0: {  	[sflag:s22] =	ssyncadd.s32 s4;
	_ =	sdelay $0x1  }
0xa1: {  	s23 =	simm.s32 $0x1B8B  }
0xa2: {  	_ =	swait.ge [sflag:s23], $0x1  }
0xa3: {  	[sflag:s23] =	ssyncset.done $0x0  }
0xa4: {  	s25 =	simm.s32 $0x1B8E;
	s24 =	sld [smem:$0x3FFE];
	[sflag:s23] =	ssyncadd.s32 $0xFFFFFFFF  }
0xa5: {  	s26 =	simm.s32 $execute0_lowered;
	[smem:$0x3FD2] =	sst s25  }
0xa6: {  	s5 =	sshll.u32 s26, $0x1;
	_ =	strace $0x80000049;
	[dreg:$0x1] =	wrdreg $0xFFFFFFFF  }
0xa7: {  	s28 =	simm.s32 $_size_execute0_lowered;
	s3 =	sadd.s32 s3, s5;
	[dreg:$0x0] =	wrdreg $0x0  }
0xa8: {  	s5 =	sshll.u32 s28, $0x1;
	[dreg:$0x2] =	wrdreg s3  }
0xa9: {  	[dreg:$0x3] =	wrdreg s5  }
0xaa: {  	[dreg:$0x4] =	wrdreg $0xC0  }
0xab: {  	_ =	task [dreg:s7], $0x5FFFF  }
0xac: {  	[dreg:$0x1] =	wrdreg $0xFFFFFFFF  }
0xad: {  	[dreg:$0x0] =	wrdreg $0x60  }
0xae: {  	[dreg:$0x2] =	wrdreg s2  }
0xaf: {  	[dreg:$0x3] =	wrdreg s24  }
0xb0: {  	[dreg:$0x4] =	wrdreg $0x9  }
0xb1: {  	_ =	task.clear_ibuf [dreg:s7], $0x5FFFF;
	_ =	strace $0x90000049  }
0xb2: {  	s29 =	simm.s32 $0x9;
	_ =	strace $0x8000004B  }
0xb3: {  	_ =	swait.ge [sflag:s29], $0x1  }
0xb4: {  	[sflag:s29] =	ssyncadd.s32 $0xFFFFFFFF  }
0xb5: {  	_ =	strace $0x9000004B  }
0xb6: {  	_ =	sfence  }
0xb7: {  	s30 =	sld [smem:$0x0];
	_ =	sdelay $0x2  }
0xb8: {  	s31 =	sshll.u32 s1, $0xD;
	s1 =	sshrl.u32 s1, $0x2  }
0xb9: {  	s3 =	sand.u32 $0x4000, s31;
	s1 =	sadd.s32 s1, s30  }
0xba: {  	s0 =	sor.u32 s3, s0;
	s1 =	sshll.u32 s1, $0x11  }
0xbb: {  	s0 =	sor.u32 s1, s0  }
0xbc: {  	s0 =	sadd.s32 $0x8F2B, s0  }
0xbd: {  	[sflag:s0] =	ssyncadd.remote.s32 $0x1  }
0xbe: {  	_ =	sfence.sel $0xFFFF  }
0xbf: {  	[dreg:$0x0] =	wrdreg $0xFFFFFFFF;
	(pc) =	sbr.abs _section_cstart, $3  }
0xc0: {  	[dreg:$0x1] =	wrdreg $0xFFFFFFFF  }
0xc1: {  	_ =	task.clear_ibuf [dreg:s7], $0x2FFFF;
	_ =	strace $0x9FFFFFFF  }
0xc2: {  	(tm) =	ssettm $0x7FFFFFFF  }
0xc3: {  	_ =	shalt  }
tec
execute0_lowered:
.L_overlay_start_1:
0x0: {  	(tag) =	ssettag $0x1  }
0x1: {  	s0 =	rddreg [dreg:$0x0]  }
0x2: {  	s1 =	rddreg [dreg:$0x1]  }
0x3: {  	s5 =	stileid.u32;
	s2 =	srdreg.scid;
	s8 =	simm.s32 $0x80  }
0x4: {  	s18 =	simm.s32 $0x10400;
	s19 =	simm.s32 $0x12400;
	s20 =	simm.s32 $0x380  }
0x5: {  	s21 =	simm.s32 $0x14400;
	s22 =	simm.s32 $0x40;
	s23 =	simm.s32 $0x9  }
0x6: {  	s24 =	simm.s32 $0xA;
	s28 =	simm.s32 $0xD;
	s29 =	simm.s32 $0xE  }
0x7: {  	s30 =	simm.s32 $0xF;
	s31 =	simm.s32 $0x10;
	s3 =	sand.u32 $0x1, s2  }
0x8: {  	s4 =	sshll.u32 s5, $0x1;
	s2 =	simm.s32 $0x0;
	s5 =	smul.u32 $0xC8000, s5  }
0x9: {  	s4 =	sor.u32 s3, s4;
	[smem:$0x7FF] =	sst s2;
	s7 =	smul.u32 $0x64000, s3  }
0xa: {  	s6 =	ssub.s32 $0x2, s3;
	s3 =	sadd.s32 $0xF43200, s1;
	s4 =	smul.u32 $0xC80, s4  }
0xb: {  	_ =	strace $0x8000004A;
	s1 =	sadd.s32 s5, s1;
	s25 =	sshrl.u32 s6, $0x1  }
0xc: {  	s5 =	ssub.s32 s6, s25;
	s26 =	sadd.s32 s7, s1;
	s7 =	simm.s32 $0x11  }
0xd: {  	s25 =	simm.s32 $0xB;
	s4 =	sadd.s32 s0, s4;
	s5 =	smax.u32 s5, $0x1  }
0xe: {  	s11 =	sadd.s32 $0xE00, s26;
	s26 =	simm.s32 $0xC;
	s0 =	simm.s32 $0x0  }
.LBB2_1:
0xf: {  	[tilespmem:s2], [sflag:$0x11] =	stream.linear.gather [hbm4b:s4+s2], $0x6400, $0x38;
	[tilespmem:$0x16400] =	vst v63  }
0x10: {  	_ =	swait.ge [sflag:s7], $0x6400  }
0x11: {  	[sflag:s7] =	ssyncset.done $0x0  }
0x12: {  	s1 =	simm.s32 $0x6400;
	[sflag:s7] =	ssyncadd.s32 $0xFFFF9C00  }
0x13: {  	[tilespmem:s1], [sflag:$0x1] =	stream.indirect.gather [hbm4b:s3+s8], $0x40, s2, s8, $0xb8;
	[tilespmem:$0x16400] =	vst v63  }
0x14: {  	s6 =	simm.s32 $0x8400  }
0x15: {  	[tilespmem:s6], [sflag:$0x2] =	stream.indirect.gather [hbm4b:s3+s8], $0x40, s8, s8, $0xb8;
	[tilespmem:$0x16400] =	vst v63  }
0x16: {  	s9 =	simm.s32 $0x100;
	s6 =	simm.s32 $0xA400  }
0x17: {  	[tilespmem:s6], [sflag:$0x3] =	stream.indirect.gather [hbm4b:s3+s8], $0x40, s9, s8, $0xb8;
	[tilespmem:$0x16400] =	vst v63  }
0x18: {  	s10 =	simm.s32 $0x180;
	s12 =	simm.s32 $0xC400  }
0x19: {  	[tilespmem:s12], [sflag:$0x4] =	stream.indirect.gather [hbm4b:s3+s8], $0x40, s10, s8, $0xb8;
	[tilespmem:$0x16400] =	vst v63  }
0x1a: {  	s13 =	simm.s32 $0x200;
	s14 =	simm.s32 $0xE400  }
0x1b: {  	[tilespmem:s14], [sflag:$0x5] =	stream.indirect.gather [hbm4b:s3+s8], $0x40, s13, s8, $0xb8;
	[tilespmem:$0x16400] =	vst v63  }
0x1c: {  	s15 =	simm.s32 $0x280;
	s16 =	simm.s32 $0x0  }
0x1d: {  	[tilespmem:s18], [sflag:$0x6] =	stream.indirect.gather [hbm4b:s3+s8], $0x40, s15, s8, $0xb8;
	[tilespmem:$0x16400] =	vst v63  }
0x1e: {  	s1 =	simm.s32 $0x300;
	s6 =	sand.u32 $0x7, s16  }
0x1f: {  	[tilespmem:s19], [sflag:$0x7] =	stream.indirect.gather [hbm4b:s3+s8], $0x40, s1, s8, $0xb8;
	[tilespmem:$0x16400] =	vst v63  }
0x20: {  	s9 =	sadd.s32 $0x1, s6  }
0x21: {  	[tilespmem:s21], [sflag:$0x8] =	stream.indirect.gather [hbm4b:s3+s8], $0x40, s20, s8, $0xb8;
	[tilespmem:$0x16400] =	vst v63  }
0x22: {  	p0 =	por $0x1, $0x1;
	s10 =	sshll.u32 s6, $0xD;
	_ =	swait.ge [sflag:s9], $0x2000  }
0x23: {  	s12 =	simm.s32 @!p0 $0x6;
	s6 =	sadd.s32 $0x9, s6;
	[sflag:s9] =	ssyncset.done $0x0  }
0x24: {  	s17 =	sadd.s32 $0x6400, s10;
	s10 =	simm.s32 $0x380;
	[sflag:s9] =	ssyncadd.s32 $0xFFFFE000  }
0x25: {  	[hbm4b:s11+s22] =	stream.strided.scatter [tilespmem:s17], [sflag:s6], $0x2000, s8, s22, $0x38;
	[tilespmem:$0x16400] =	vst v63  }
0x26: {  	s15 =	simm.s32 @!p0 $0x80;
	s9 =	simm.s32 $0xFFFFFFFF;
	s6 =	sand.u32 @!p0 $0x7, s12  }
0x27: {  	s12 =	sadd.s32 @!p0 $0x9, s6;
	s14 =	sshll.u32 @!p0 s6, $0xD;
	s13 =	sadd.s32 @!p0 $0x1, s6  }
0x28: {  	s6 =	smov.u32 s11;
	s14 =	sadd.s32 @!p0 $0x6400, s14;
	_ =	swait.ge @!p0 [sflag:s12], $0x2000  }
.LBB2_2:
0x29: {  	[sflag:s12] =	ssyncset.done @!p0 $0x0  }
0x2a: {  	s6 =	sadd.s32 $0x800, s6;
	s16 =	smov.u32 s9;
	s9 =	sadd.s32 $0x1, s9  }
0x2b: {  	s17 =	sadd.s32 $0x2, s16;
	p1 =	sne.s32 s9, $0xC6;
	[sflag:s12] =	ssyncadd.s32 @!p0 $0xFFFFE000  }
0x2c: {  	[tilespmem:s14], [sflag:s13] =	stream.indirect.gather @!p0 [hbm4b:s3+s15], $0x40, s1, s15, $0xb8;
	[tilespmem:$0x16400] =	vst v63  }
0x2d: {  	s12 =	sand.u32 $0x7, s17;
	s1 =	smov.u32 s10  }
0x2e: {  	s13 =	sadd.s32 $0x1, s12;
	s14 =	sshll.u32 s12, $0xD  }
0x2f: {  	p0 =	sgt.u32 s16, $0xBF;
	_ =	swait.ge [sflag:s13], $0x2000  }
0x30: {  	s15 =	sadd.s32 @!p0 $0x8, s16;
	s12 =	sadd.s32 $0x9, s12;
	[sflag:s13] =	ssyncset.done $0x0  }
.Ltmp0:
0x31: {  	[sflag:s13] =	ssyncadd.s32 $0xFFFFE000;
	s13 =	sadd.s32 $0x6400, s14;
	(pc) =	sbr.rel @p1 .LBB2_2-.Ltmp0, $4  }
0x32: {  	[hbm4b:s6+s22] =	stream.strided.scatter [tilespmem:s13], [sflag:s12], $0x2000, s8, s22, $0x38;
	[tilespmem:$0x16400] =	vst v63  }
0x33: {  	s10 =	sadd.s32 $0x80, s10;
	s13 =	sand.u32 @!p0 $0x7, s15  }
0x34: {  	s12 =	sadd.s32 @!p0 $0x9, s13;
	s14 =	sshll.u32 @!p0 s13, $0xD;
	s13 =	sadd.s32 @!p0 $0x1, s13  }
0x35: {  	s15 =	simm.s32 @!p0 $0x80;
	s14 =	sadd.s32 @!p0 $0x6400, s14;
	_ =	swait.ge @!p0 [sflag:s12], $0x2000  }
0x36: {  	[sflag:s12] =	ssyncset.done @!p0 $0x0  }
0x37: {  	[sflag:s12] =	ssyncadd.s32 @!p0 $0xFFFFE000  }
0x38: {  	[tilespmem:s14], [sflag:s13] =	stream.indirect.gather @!p0 [hbm4b:s3+s15], $0x40, s1, s15, $0xb8;
	[tilespmem:$0x16400] =	vst v63  }
0x39: {  	_ =	swait.ge [sflag:s23], $0x2000  }
0x3a: {  	[sflag:s23] =	ssyncset.done $0x0  }
0x3b: {  	[sflag:s23] =	ssyncadd.s32 $0xFFFFE000  }
0x3c: {  	_ =	swait.ge [sflag:s24], $0x2000  }
0x3d: {  	[sflag:s24] =	ssyncset.done $0x0  }
0x3e: {  	[sflag:s24] =	ssyncadd.s32 $0xFFFFE000  }
0x3f: {  	_ =	swait.ge [sflag:s25], $0x2000  }
0x40: {  	[sflag:s25] =	ssyncset.done $0x0  }
0x41: {  	[sflag:s25] =	ssyncadd.s32 $0xFFFFE000  }
0x42: {  	_ =	swait.ge [sflag:s26], $0x2000  }
0x43: {  	[sflag:s26] =	ssyncset.done $0x0  }
0x44: {  	[sflag:s26] =	ssyncadd.s32 $0xFFFFE000  }
0x45: {  	_ =	swait.ge [sflag:s28], $0x2000  }
0x46: {  	[sflag:s28] =	ssyncset.done $0x0  }
0x47: {  	[sflag:s28] =	ssyncadd.s32 $0xFFFFE000  }
0x48: {  	_ =	swait.ge [sflag:s29], $0x2000  }
0x49: {  	[sflag:s29] =	ssyncset.done $0x0  }
0x4a: {  	s0 =	sadd.s32 $0x1, s0;
	[sflag:s29] =	ssyncadd.s32 $0xFFFFE000  }
0x4b: {  	p0 =	sne.s32 s0, s5;
	_ =	swait.ge [sflag:s30], $0x2000  }
.Ltmp1:
0x4c: {  	[sflag:s30] =	ssyncset.done $0x0;
	(pc) =	sbr.rel @p0 .LBB2_1-.Ltmp1, $4  }
0x4d: {  	[sflag:s30] =	ssyncadd.s32 $0xFFFFE000  }
0x4e: {  	_ =	swait.ge [sflag:s31], $0x2000  }
0x4f: {  	[sflag:s31] =	ssyncset.done $0x0  }
0x50: {  	[sflag:s31] =	ssyncadd.s32 $0xFFFFE000  }
0x51: {  	_ =	sfence.sel $0x180000  }
0x52: {  	[bflag:$0x0] =	sbarrier.arrive $0xFFFF  }
0x53: {  	_ =	strace $0x9000004A  }
0x54: {  	s0 =	stileid.u32;
	[bflag:$0x2] =	sbarrier.arrive $0xFFFF  }
0x55: {  	p0 =	sne.s32 s0, $0x0;
	s0 =	rddreg [dreg:$0x2]  }
0x56: {  	s0 =	sadd.s32 @!p0 $0x100000, s0  }
0x57: {  	[sflag:s0] =	ssyncadd.tile.s32 @!p0 $0x1;
	_ =	shalt  }
.Lfunc_end2:
_tile_overlayer_lowered:
.L_overlay_start_2:
0x58: {  	(tag) =	ssettag $0x2  }
0x59: {  	s0 =	rddreg [dreg:$0x0];
	s2 =	stileid.u32  }
0x5a: {  	s1 =	rddreg [dreg:$0x1];
	p0 =	sne.s32 s2, $0x0  }
0x5b: {  	s3 =	rddreg [dreg:$0x2];
	[bflag:$0x3] =	sbarrier.arrive $0xFFFF;
	s2 =	simm.s32 @!p0 $0x1C11  }
0x5c: {  	[timem:s3], [sflag:s2] =	dma.local @!p0 [hbm:s0], s1  }
0x5d: {  	s0 =	simm.s32 @!p0 $0x11  }
0x5e: {  	_ =	swait.ge @!p0 [sflag:s0], s1  }
0x5f: {  	s1 =	ssub.s32 @!p0 $0x0, s1;
	[sflag:s0] =	ssyncset.done @!p0 $0x0  }
0x60: {  	[sflag:s0] =	ssyncadd.s32 @!p0 s1  }
0x61: {  	[bflag:$0x3] =	sbarrier.arrive $0xFFFF  }
0x62: {  	_ =	shalt  }

// kernel: sparse-core-data-format-call.1.cloned.1.call-start
scs
called_computation.1_lowered:
.L_overlay_start_0:
0x0: {  	s2 =	sld [smem:$0x3FD9]  }
0x1: {  	s3 =	sld [smem:$0x3FFE];
	_ =	sdelay $0x1  }
0x2: {  	s1 =	srdreg.scid  }
0x3: {  	s0 =	sand.u32 $0x1, s1  }
0x4: {  	s18 =	sshll.u32 s0, $0xA;
	s2 =	sadd.s32 s3, s2  }
0x5: {  	s2 =	sadd.s32 s2, s18  }
0x6: {  	[smem:$0x3FC6] =	sst s2  }
0x7: {  	_ = 	snop  }
0x8: {  	s2 =	sld [smem:$0x3FC8];
	(tm) =	ssettm $0x1  }
0x9: {  	s19 =	sld [smem:$0x3FFB];
	_ =	sdelay $0x3  }
0xa: {  	_ =	strace s19  }
0xb: {  	s3 =	sld [smem:$0x3FFC];
	_ =	sdelay $0x3  }
0xc: {  	_ =	strace s3  }
0xd: {  	s3 =	sld [smem:$0x3FFD];
	_ =	sdelay $0x3  }
0xe: {  	_ =	strace s3  }
0xf: {  	_ =	strace $0x8FFFFFFF  }
0x10: {  	s20 =	sld [smem:$0x3FDB];
	_ =	sdelay $0x1  }
0x11: {  	s4 =	simm.s32 $_scs_section_size  }
0x12: {  	s5 =	simm.s32 $_size__tile_overlayer_lowered;
	s6 =	simm.s32 $_tile_overlayer_lowered  }
0x13: {  	s23 =	simm.s32 $0x1BFF;
	s22 =	sshll.u32 s6, $0x1;
	s3 =	sadd.s32 s4, s20  }
0x14: {  	s7 =	simm.s32 $0x0;
	s21 =	sshll.u32 s5, $0x1;
	s5 =	sadd.s32 s22, s3  }
0x15: {  	[timem:s7], [sflag:s23] =	dma.local [hbm:s5], s21  }
0x16: {  	_ =	swait.ge [sflag:s23], s21  }
0x17: {  	s4 =	ssub.s32 $0x0, s21;
	[sflag:s23] =	ssyncset.done $0x0  }
0x18: {  	[sflag:s23] =	ssyncadd.s32 s4;
	_ =	sdelay $0x1  }
0x19: {  	s24 =	simm.s32 $0x1B8B  }
0x1a: {  	_ =	swait.ge [sflag:s24], $0x1  }
0x1b: {  	[sflag:s24] =	ssyncset.done $0x0  }
0x1c: {  	s26 =	simm.s32 $0x1B8E;
	s25 =	sld [smem:$0x3FFE];
	[sflag:s24] =	ssyncadd.s32 $0xFFFFFFFF  }
0x1d: {  	s27 =	simm.s32 $execute0_lowered;
	[smem:$0x3FD2] =	sst s26  }
0x1e: {  	s5 =	sshll.u32 s27, $0x1;
	_ =	strace $0x80000046;
	[dreg:$0x1] =	wrdreg $0xFFFFFFFF  }
0x1f: {  	s28 =	simm.s32 $_size_execute0_lowered;
	s3 =	sadd.s32 s3, s5;
	[dreg:$0x0] =	wrdreg $0x0  }
0x20: {  	s5 =	sshll.u32 s28, $0x1;
	[dreg:$0x2] =	wrdreg s3  }
0x21: {  	[dreg:$0x3] =	wrdreg s5  }
0x22: {  	[dreg:$0x4] =	wrdreg $0xC0  }
0x23: {  	_ =	task [dreg:s7], $0x5FFFF  }
0x24: {  	[dreg:$0x1] =	wrdreg $0xFFFFFFFF  }
0x25: {  	[dreg:$0x0] =	wrdreg $0x60  }
0x26: {  	[dreg:$0x2] =	wrdreg s2  }
0x27: {  	[dreg:$0x3] =	wrdreg s25  }
0x28: {  	[dreg:$0x4] =	wrdreg $0x9  }
0x29: {  	_ =	task.clear_ibuf [dreg:s7], $0x5FFFF;
	_ =	strace $0x90000046  }
0x2a: {  	s29 =	simm.s32 $0x9;
	_ =	strace $0x80000048  }
0x2b: {  	_ =	swait.ge [sflag:s29], $0x1  }
0x2c: {  	[sflag:s29] =	ssyncadd.s32 $0xFFFFFFFF  }
0x2d: {  	_ =	strace $0x90000048  }
0x2e: {  	_ =	sfence  }
0x2f: {  	s30 =	sld [smem:$0x0];
	_ =	sdelay $0x2  }
0x30: {  	s31 =	sshll.u32 s1, $0xD;
	s1 =	sshrl.u32 s1, $0x2  }
0x31: {  	s3 =	sand.u32 $0x4000, s31;
	s1 =	sadd.s32 s1, s30  }
0x32: {  	s0 =	sor.u32 s3, s0;
	s1 =	sshll.u32 s1, $0x11  }
0x33: {  	s0 =	sor.u32 s1, s0  }
0x34: {  	s0 =	sadd.s32 $0x8F2B, s0  }
0x35: {  	[sflag:s0] =	ssyncadd.remote.s32 $0x1  }
0x36: {  	_ =	sfence.sel $0xFFFF  }
0x37: {  	[dreg:$0x0] =	wrdreg $0xFFFFFFFF;
	(pc) =	sbr.abs _section_cstart, $3  }
0x38: {  	[dreg:$0x1] =	wrdreg $0xFFFFFFFF  }
0x39: {  	_ =	task.clear_ibuf [dreg:s7], $0x2FFFF;
	_ =	strace $0x9FFFFFFF  }
0x3a: {  	(tm) =	ssettm $0x7FFFFFFF  }
0x3b: {  	_ =	shalt  }
tec
execute0_lowered:
.L_overlay_start_1:
0x0: {  	(tag) =	ssettag $0x1  }
0x1: {  	s0 =	srdreg.scid;
	s2 =	rddreg [dreg:$0x0]  }
0x2: {  	s5 =	rddreg [dreg:$0x1];
	s1 =	stileid.u32  }
0x3: {  	s4 =	simm.s32 $0x1;
	s6 =	simm.s32 $0x2;
	s15 =	simm.s32 $0x0  }
0x4: {  	p0 =	por $0x0, $0x0;
	s8 =	simm.s32 $0x80;
	s0 =	sshll.u32 s0, $0x4  }
0x5: {  	s14 =	simm.s32 $0x0;
	s9 =	simm.s32 $0x0;
	s3 =	sand.u32 $0x10, s0  }
.Ltmp0:
0x6: {  	s10 =	simm.s32 $0x0;
	s3 =	sor.u32 s1, s3;
	(pc) =	sbr.rel .LBB1_1-.Ltmp0, $4  }
0x7: {  	s0 =	rddreg [dreg:$0x2];
	_ =	strace $0x80000047;
	s3 =	sshll.u32 s3, $0x7  }
0x8: {  	s12 =	simm.s32 $0x0;
	[sflag:s4] =	ssyncpa.u1 $0x0;
	s7 =	ssub.s32 $0xF4200, s3  }
0x9: {  	s13 =	simm.s32 $0x0;
	[sflag:s6] =	ssyncpa.u1 $0x0;
	s6 =	sshrl.u32 s7, $0xC  }
0xa: {  	s5 =	sadd.s32 $0xE00, s5;
	s11 =	smov.u32 s3;
	s7 =	sadd.s32 $0x2, s6  }
.LBB1_5:
0xb: {  	p1 =	slt.u32 s13, $0x2  }
0xc: {  	s17 =	smov.u32 s15;
	p2 =	sgt.s32 @!p1 s15, $0xF41C0;
	s16 =	sshra.s32 @!p1 s15, $0x1F  }
0xd: {  	p3 =	sgt.s32 @!p1 s14, $0x40;
	s18 =	sshra.s32 @!p1 s14, $0x1F;
	p2 =	por !p2, p1  }
0xe: {  	s15 =	sand.u32 @!p1 s16, s15;
	p3 =	por !p3, p1;
	s16 =	smov.u32 s14  }
0xf: {  	s14 =	sand.u32 @!p1 s18, s14;
	s17 =	simm.s32 @p2 $0xF41C0;
	s16 =	simm.s32 @p3 $0x40  }
0x10: {  	s15 =	ssub.s32 @!p1 s17, s15;
	s14 =	ssub.s32 @!p1 s16, s14  }
0x11: {  	s18 =	smov.u32 s12;
	s16 =	sadd.s32 @!p1 $0xFFF0BE40, s15;
	s17 =	sadd.s32 @!p1 $0xFFFFFFC0, s14  }
0x12: {  	s15 =	ssub.s32 @!p1 $0xF4240, s15;
	p2 =	sgt.s32 @!p1 s16, $0x7F;
	p3 =	sgt.s32 @!p1 s17, $0x3F  }
0x13: {  	s14 =	ssub.s32 @!p1 $0x80, s14;
	p2 =	por !p2, p1;
	p3 =	por !p3, p1  }
0x14: {  	s16 =	sadd.s32 $0x1000, s11;
	s15 =	simm.s32 @!p2 $0x0;
	s14 =	simm.s32 @!p3 $0x0  }
0x15: {  	p2 =	sgt.s32 s16, $0xF423F;
	s14 =	smul.u32 @!p1 s14, s15;
	s15 =	sadd.s32 $0x40, s12  }
0x16: {  	s18 =	smov.u32 @p2 s15  }
0x17: {  	s16 =	smov.u32 @p2 s3;
	p2 =	sgt.s32 s18, $0x3F  }
0x18: {  	s18 =	simm.s32 @p2 $0x0;
	p2 =	sne.s32 s13, s7  }
.Ltmp1:
0x19: {  	p0 =	por !p0, !p0;
	s17 =	simm.s32 @!p1 $0x2;
	(pc) =	sbr.rel @!p2 .LBB1_6-.Ltmp1, $4  }
0x1a: {  	s15 =	smov.u32 s9;
	s9 =	smov.u32 s11;
	s14 =	sand.u32 @!p1 $0x3FFFFFFF, s14  }
0x1b: {  	s11 =	smov.u32 s16;
	_ =	swait.ge @!p1 [sflag:s17], s14;
	s19 =	ssub.s32 @!p1 $0x0, s14  }
0x1c: {  	s14 =	smov.u32 s10;
	s13 =	sadd.s32 $0x1, s13;
	[sflag:s17] =	ssyncset.done @!p1 $0x0  }
0x1d: {  	s10 =	smov.u32 s12;
	s12 =	smov.u32 s18;
	[sflag:s17] =	ssyncadd.s32 @!p1 s19  }
.LBB1_1:
0x1e: {  	p1 =	sgt.u32 s13, s6  }
0x1f: {  	s16 =	sshrl.u32 @!p1 s12, $0x3  }
0x20: {  	s17 =	sshll.u32 @!p1 s11, $0x3;
	s16 =	smul.u32 @!p1 $0x7A1400, s16  }
0x21: {  	s18 =	sshll.u32 @!p1 s12, $0x7;
	s17 =	sand.u32 @!p1 $0xFFFFFC00, s17  }
0x22: {  	s16 =	sadd.s32 @!p1 s16, s17;
	s17 =	sand.u32 @!p1 $0x380, s18  }
0x23: {  	s18 =	sand.u32 @!p1 $0x7F, s11;
	s16 =	sor.u32 @!p1 s17, s16  }
0x24: {  	s17 =	sor.u32 @!p1 s18, s16  }
0x25: {  	s18 =	smulhi.u32 @!p1 $0x218D6287, s17;
	_ =	sdelay $0x1  }
0x26: {  	s16 =	smulhi.u32 @!p1 $0x218D6287, s16;
	s18 =	sshrl.u32 @!p1 s18, $0x11  }
0x27: {  	s18 =	smul.u32 @!p1 $0xF4280, s18  }
0x28: {  	s19 =	sxor.u32 @!p1 $0xFFFFFFFF, s13;
	s16 =	sshrl.u32 @!p1 s16, $0x11  }
0x29: {  	s19 =	sshll.u32 @!p1 s19, $0xD;
	s16 =	sand.u32 @!p1 $0x3F, s16;
	s17 =	ssub.s32 @!p1 s17, s18  }
0x2a: {  	s16 =	smul.u32 @!p1 $0x1E850, s16;
	s18 =	sshrl.u32 @!p1 s17, $0x3;
	s17 =	sand.u32 @!p1 $0x7, s17  }
0x2b: {  	s19 =	sand.u32 @!p1 $0x2000, s19;
	s18 =	sadd.s32 @!p1 s2, s18;
	s17 =	sshll.u32 @!p1 s17, $0x12  }
0x2c: {  	s16 =	sadd.s32 @!p1 s16, s18;
	s17 =	sor.u32 @!p1 $0x400, s17;
	s18 =	simm.s32 @!p1 $0x7A1400  }
0x2d: {  	[tilespmem:s19], [sflag:$0x1] =	stream.strided.gather @!p1 [hbm4b:s16+s17], $0x2000, s18, s17, $0x38;
	[tilespmem:$0x8100] =	vst v63  }
0x2e: {  	p1 =	seq.s32 s13, $0x0  }
0x2f: {  	p2 =	sge.u32 @!p1 s13, s7  }
0x30: {  	p1 =	por p1, p2  }
.Ltmp2:
0x31: {  	_ = 	snop;
	(pc) =	sbr.rel @p1 .LBB1_5-.Ltmp2, $1  }
0x32: {  	_ =	sdelay $0x3  }
0x33: {  	s16 =	simm.s32 $0x1  }
0x34: {  	_ =	swait.ge [sflag:s4], $0x2000;
	s16 =	simm.s32 @!p0 $0x0  }
0x35: {  	[sflag:s4] =	ssyncset.done $0x0;
	s17 =	sshll.u32 s16, $0xD  }
0x36: {  	[sflag:s4] =	ssyncadd.s32 $0xFFFFE000;
	s17 =	sor.u32 $0x40, s17  }
0x37: {  	s16 =	smul.u32 $0x8200, s16;
	v0 =	vld [tilespmem:s17+$0x30]  }
0x38: {  	v1 =	vld [tilespmem:s17+$0xFFFFFFD0]  }
0x39: {  	s16 =	sshrl.u32 s16, $0x2;
	v5 =	vld [tilespmem:s17+$0xFFFFFFE0]  }
0x3a: {  	v6 =	vld [tilespmem:s17+$0xFFFFFFF0];
	s19 =	sor.u32 $0x4000, s16  }
0x3b: {  	s31 =	sand.u32 $0x1, s13;
	v4 =	vld [tilespmem:s17+$0x0];
	s18 =	sadd.s32 $0x0, s19  }
0x3c: {  	v3 =	vld [tilespmem:s17+$0x10];
	s16 =	smul.u32 $0x8200, s31;
	[tilespmem:s18+$0x1C70 ss:$0x41] =	vst.msk $0xffff, v0  }
0x3d: {  	v2 =	vld [tilespmem:s17+$0x20];
	[tilespmem:s18+$0x410 ss:$0x41] =	vst.msk $0xffff, v1  }
0x3e: {  	s16 =	sshrl.u32 s16, $0x2;
	v1 =	vld [tilespmem:s17+$0xFFFFFFC0];
	[tilespmem:s18+$0x820 ss:$0x41] =	vst.msk $0xffff, v5;
	s17 =	sadd.s32 $0x80, s17  }
0x3f: {  	s20 =	simm.s32 $0x4;
	s21 =	simm.s32 $0x8;
	s16 =	sor.u32 $0x4000, s16;
	[tilespmem:s18+$0xC30 ss:$0x41] =	vst.msk $0xffff, v6;
	v0 =	vld [tilespmem:s17+$0x30]  }
.LBB1_3:
0x40: {  	p1 =	sne.s32 s21, $0xFC;
	v5 =	vld [tilespmem:s17+$0xFFFFFFD0];
	[tilespmem:s18+$0x1040 ss:$0x41] =	vst.msk $0xffff, v4  }
0x41: {  	v6 =	vld [tilespmem:s17+$0xFFFFFFE0];
	[tilespmem:s18+$0x1450 ss:$0x41] =	vst.msk $0xffff, v3  }
0x42: {  	s22 =	sshra.s32 s20, $0x2;
	s20 =	smov.u32 s21;
	v7 =	vld [tilespmem:s17+$0xFFFFFFF0];
	[tilespmem:s18+$0x1860 ss:$0x41] =	vst.msk $0xffff, v2  }
.Ltmp3:
0x43: {  	v4 =	vld [tilespmem:s17+$0x0];
	[tilespmem:s18+$0x0 ss:$0x41] =	vst.msk $0xffff, v1;
	s18 =	sadd.s32 s22, s19;
	(pc) =	sbr.rel @p1 .LBB1_3-.Ltmp3, $4  }
0x44: {  	v3 =	vld [tilespmem:s17+$0x10];
	[tilespmem:s18+$0x1C70 ss:$0x41] =	vst.msk $0xffff, v0  }
0x45: {  	[tilespmem:s18+$0x410 ss:$0x41] =	vst.msk $0xffff, v5;
	v2 =	vld [tilespmem:s17+$0x20]  }
0x46: {  	v1 =	vld [tilespmem:s17+$0xFFFFFFC0];
	[tilespmem:s18+$0x820 ss:$0x41] =	vst.msk $0xffff, v6;
	s17 =	sadd.s32 $0x80, s17  }
0x47: {  	s21 =	sadd.s32 $0x4, s21;
	v0 =	vld [tilespmem:s17+$0x30];
	[tilespmem:s18+$0xC30 ss:$0x41] =	vst.msk $0xffff, v7  }
0x48: {  	s21 =	sshll.u32 s9, $0x7;
	s22 =	sshll.u32 s10, $0x3;
	s20 =	sshra.s32 s20, $0x2  }
0x49: {  	p1 =	sgt.s32 s9, $0xF41C0;
	s30 =	sshra.s32 s9, $0x1F;
	s25 =	sshra.s32 s10, $0x1F  }
0x4a: {  	v5 =	vld [tilespmem:s17+$0xFFFFFFD0];
	s28 =	sshrl.u32 s10, $0x3;
	s23 =	sand.u32 $0xFFFFFC00, s21;
	s22 =	sand.u32 $0xFFFFFC00, s22  }
0x4b: {  	[tilespmem:s18+$0x1040 ss:$0x41] =	vst.msk $0xffff, v4;
	v58 =	vld [tilespmem:s17+$0xFFFFFFE0];
	s21 =	sand.u32 $0x380, s21;
	s19 =	sadd.s32 s20, s19;
	s22 =	sadd.s32 s22, s23  }
0x4c: {  	v59 =	vld [tilespmem:s17+$0xFFFFFFF0];
	[tilespmem:s18+$0x1450 ss:$0x41] =	vst.msk $0xffff, v3;
	s29 =	sor.u32 s21, s22;
	s21 =	smov.u32 s9;
	s22 =	sand.u32 s30, s9  }
0x4d: {  	v60 =	vld [tilespmem:s17+$0x0];
	[tilespmem:s18+$0x1860 ss:$0x41] =	vst.msk $0xffff, v2;
	s30 =	sand.u32 $0x7, s10;
	s20 =	sshrl.u32 s29, $0x7;
	s21 =	simm.s32 @!p1 $0xF41C0  }
0x4e: {  	v61 =	vld [tilespmem:s17+$0x10];
	[tilespmem:s18+$0x0 ss:$0x41] =	vst.msk $0xffff, v1;
	p1 =	sgt.s32 s10, $0x40;
	s24 =	ssub.s32 s21, s22;
	s21 =	smov.u32 s10  }
0x4f: {  	v62 =	vld [tilespmem:s17+$0x20];
	[tilespmem:s19+$0x1C70 ss:$0x41] =	vst.msk $0xffff, v0;
	s31 =	smulhi.u32 $0x218DEF5, s20;
	s22 =	sand.u32 s25, s10;
	s21 =	simm.s32 @!p1 $0x40  }
0x50: {  	v63 =	vld [tilespmem:s17+$0xFFFFFFC0];
	[tilespmem:s19+$0x410 ss:$0x41] =	vst.msk $0xffff, v5;
	s26 =	sadd.s32 $0xFFF0BE40, s24;
	s17 =	ssub.s32 $0xF4240, s24;
	s21 =	ssub.s32 s21, s22  }
0x51: {  	[tilespmem:s19+$0x820 ss:$0x41] =	vst.msk $0xffff, v58;
	s23 =	sshrl.u32 s31, $0xD;
	p1 =	sgt.s32 s26, $0x7F;
	s27 =	sadd.s32 $0xFFFFFFC0, s21  }
0x52: {  	[tilespmem:s19+$0xC30 ss:$0x41] =	vst.msk $0xffff, v59;
	s23 =	smul.u32 $0xF4240, s23;
	s18 =	ssub.s32 $0x80, s21;
	p2 =	sgt.s32 s27, $0x3F  }
.Ltmp4:
0x53: {  	[tilespmem:s19+$0x1040 ss:$0x41] =	vst.msk $0xffff, v60;
	s17 =	simm.s32 @p1 $0x0;
	s18 =	simm.s32 @p2 $0x0;
	(pc) =	sbr.rel .LBB1_5-.Ltmp4, $4  }
0x54: {  	s29 =	sand.u32 $0xF, s28;
	[tilespmem:s19+$0x1450 ss:$0x41] =	vst.msk $0xffff, v61;
	s20 =	ssub.s32 s20, s23;
	s17 =	smul.u32 s18, s17  }
0x55: {  	[tilespmem:s19+$0x1860 ss:$0x41] =	vst.msk $0xffff, v62;
	s21 =	sshll.u32 s30, $0x12;
	s20 =	sshll.u32 s20, $0x4;
	s18 =	sadd.s32 s5, s29  }
0x56: {  	[tilespmem:s19+$0x0 ss:$0x41] =	vst.msk $0xffff, v63;
	s31 =	sor.u32 $0x40, s21;
	s18 =	sadd.s32 s20, s18;
	s17 =	sand.u32 $0x3FFFFFFF, s17  }
0x57: {  	[hbm4b:s18+s31] =	stream.strided.scatter [tilespmem:s16], [sflag:$0x2], s17, s8, s31, $0x18;
	[tilespmem:$0x8100] =	vst v63  }
.LBB1_6:
0x58: {  	_ =	sfence.sel $0x180000  }
0x59: {  	s2 =	simm.s32 $0x1;
	[bflag:$0x0] =	sbarrier.arrive $0xFFFF  }
0x5a: {  	s31 =	simm.s32 $0x2;
	[sflag:s2] =	ssyncpa.u1 $0x1  }
0x5b: {  	[sflag:s31] =	ssyncpa.u1 $0x1  }
0x5c: {  	p0 =	sne.s32 s1, $0x0;
	_ =	strace $0x90000047  }
0x5d: {  	s0 =	sadd.s32 @!p0 $0x100000, s0;
	[bflag:$0x2] =	sbarrier.arrive $0xFFFF  }
0x5e: {  	[sflag:s0] =	ssyncadd.tile.s32 @!p0 $0x1;
	_ =	shalt  }
.Lfunc_end1:
_tile_overlayer_lowered:
.L_overlay_start_2:
0x5f: {  	(tag) =	ssettag $0x2  }
0x60: {  	s0 =	rddreg [dreg:$0x0];
	s2 =	stileid.u32  }
0x61: {  	s1 =	rddreg [dreg:$0x1];
	p0 =	sne.s32 s2, $0x0  }
0x62: {  	s3 =	rddreg [dreg:$0x2];
	[bflag:$0x3] =	sbarrier.arrive $0xFFFF;
	s2 =	simm.s32 @!p0 $0x1C01  }
0x63: {  	[timem:s3], [sflag:s2] =	dma.local @!p0 [hbm:s0], s1  }
0x64: {  	s0 =	simm.s32 @!p0 $0x1  }
0x65: {  	_ =	swait.ge @!p0 [sflag:s0], s1  }
0x66: {  	s1 =	ssub.s32 @!p0 $0x0, s1;
	[sflag:s0] =	ssyncset.done @!p0 $0x0  }
0x67: {  	[sflag:s0] =	ssyncadd.s32 @!p0 s1  }
0x68: {  	[bflag:$0x3] =	sbarrier.arrive $0xFFFF  }
0x69: {  	_ =	shalt  }

// kernel: sparse-core-data-format-call.cloned.1.call-start
scs
called_computation_lowered:
.L_overlay_start_0:
0x0: {  	s2 =	sld [smem:$0x3FD9]  }
0x1: {  	s3 =	sld [smem:$0x3FFE];
	_ =	sdelay $0x1  }
0x2: {  	s1 =	srdreg.scid  }
0x3: {  	s0 =	sand.u32 $0x1, s1  }
0x4: {  	s18 =	sshll.u32 s0, $0xA;
	s2 =	sadd.s32 s3, s2  }
0x5: {  	s2 =	sadd.s32 s2, s18  }
0x6: {  	[smem:$0x3FC6] =	sst s2  }
0x7: {  	_ = 	snop  }
0x8: {  	s2 =	sld [smem:$0x3FD0];
	(tm) =	ssettm $0x1  }
0x9: {  	s19 =	sld [smem:$0x3FFB];
	_ =	sdelay $0x3  }
0xa: {  	_ =	strace s19  }
0xb: {  	s3 =	sld [smem:$0x3FFC];
	_ =	sdelay $0x3  }
0xc: {  	_ =	strace s3  }
0xd: {  	s3 =	sld [smem:$0x3FFD];
	_ =	sdelay $0x3  }
0xe: {  	_ =	strace s3  }
0xf: {  	_ =	strace $0x8FFFFFFF  }
0x10: {  	s20 =	sld [smem:$0x3FDB];
	_ =	sdelay $0x1  }
0x11: {  	s4 =	simm.s32 $_scs_section_size  }
0x12: {  	s5 =	simm.s32 $_size__tile_overlayer_lowered;
	s6 =	simm.s32 $_tile_overlayer_lowered  }
0x13: {  	s23 =	simm.s32 $0x1BFF;
	s22 =	sshll.u32 s6, $0x1;
	s3 =	sadd.s32 s4, s20  }
0x14: {  	s7 =	simm.s32 $0x0;
	s21 =	sshll.u32 s5, $0x1;
	s5 =	sadd.s32 s22, s3  }
0x15: {  	[timem:s7], [sflag:s23] =	dma.local [hbm:s5], s21  }
0x16: {  	_ =	swait.ge [sflag:s23], s21  }
0x17: {  	s4 =	ssub.s32 $0x0, s21;
	[sflag:s23] =	ssyncset.done $0x0  }
0x18: {  	[sflag:s23] =	ssyncadd.s32 s4;
	_ =	sdelay $0x1  }
0x19: {  	s24 =	simm.s32 $0x1B8B  }
0x1a: {  	_ =	swait.ge [sflag:s24], $0x1  }
0x1b: {  	[sflag:s24] =	ssyncset.done $0x0  }
0x1c: {  	s26 =	simm.s32 $0x1B8E;
	s25 =	sld [smem:$0x3FFE];
	[sflag:s24] =	ssyncadd.s32 $0xFFFFFFFF  }
0x1d: {  	s27 =	simm.s32 $execute0_lowered;
	[smem:$0x3FD2] =	sst s26  }
0x1e: {  	s5 =	sshll.u32 s27, $0x1;
	_ =	strace $0x8000004C;
	[dreg:$0x1] =	wrdreg $0xFFFFFFFF  }
0x1f: {  	s28 =	simm.s32 $_size_execute0_lowered;
	s3 =	sadd.s32 s3, s5;
	[dreg:$0x0] =	wrdreg $0x0  }
0x20: {  	s5 =	sshll.u32 s28, $0x1;
	[dreg:$0x2] =	wrdreg s3  }
0x21: {  	[dreg:$0x3] =	wrdreg s5  }
0x22: {  	[dreg:$0x4] =	wrdreg $0xC0  }
0x23: {  	_ =	task [dreg:s7], $0x5FFFF  }
0x24: {  	[dreg:$0x1] =	wrdreg $0xFFFFFFFF  }
0x25: {  	[dreg:$0x0] =	wrdreg $0x60  }
0x26: {  	[dreg:$0x2] =	wrdreg s25  }
0x27: {  	[dreg:$0x3] =	wrdreg s2  }
0x28: {  	[dreg:$0x4] =	wrdreg $0x9  }
0x29: {  	_ =	task.clear_ibuf [dreg:s7], $0x5FFFF;
	_ =	strace $0x9000004C  }
0x2a: {  	s29 =	simm.s32 $0x9;
	_ =	strace $0x8000004E  }
0x2b: {  	_ =	swait.ge [sflag:s29], $0x1  }
0x2c: {  	[sflag:s29] =	ssyncadd.s32 $0xFFFFFFFF  }
0x2d: {  	_ =	strace $0x9000004E  }
0x2e: {  	_ =	sfence  }
0x2f: {  	s30 =	sld [smem:$0x0];
	_ =	sdelay $0x2  }
0x30: {  	s31 =	sshll.u32 s1, $0xD;
	s1 =	sshrl.u32 s1, $0x2  }
0x31: {  	s3 =	sand.u32 $0x4000, s31;
	s1 =	sadd.s32 s1, s30  }
0x32: {  	s0 =	sor.u32 s3, s0;
	s1 =	sshll.u32 s1, $0x11  }
0x33: {  	s0 =	sor.u32 s1, s0  }
0x34: {  	s0 =	sadd.s32 $0x8F2B, s0  }
0x35: {  	[sflag:s0] =	ssyncadd.remote.s32 $0x1  }
0x36: {  	_ =	sfence.sel $0xFFFF  }
0x37: {  	[dreg:$0x0] =	wrdreg $0xFFFFFFFF;
	(pc) =	sbr.abs _section_cstart, $3  }
0x38: {  	[dreg:$0x1] =	wrdreg $0xFFFFFFFF  }
0x39: {  	_ =	task.clear_ibuf [dreg:s7], $0x2FFFF;
	_ =	strace $0x9FFFFFFF  }
0x3a: {  	(tm) =	ssettm $0x7FFFFFFF  }
0x3b: {  	_ =	shalt  }
tec
execute0_lowered:
.L_overlay_start_1:
0x0: {  	(tag) =	ssettag $0x1  }
0x1: {  	s0 =	srdreg.scid  }
0x2: {  	s1 =	sshll.u32 s0, $0x4  }
0x3: {  	s0 =	stileid.u32;
	s1 =	sand.u32 $0x10, s1  }
0x4: {  	s1 =	sor.u32 s0, s1  }
0x5: {  	s6 =	rddreg [dreg:$0x0];
	s4 =	simm.s32 $0x1;
	s2 =	sshll.u32 s1, $0x7  }
0x6: {  	s7 =	simm.s32 $0x2;
	s12 =	simm.s32 $0x0;
	s1 =	ssub.s32 $0x1000, s2  }
0x7: {  	s8 =	simm.s32 $0x8000;
	s13 =	simm.s32 $0x0;
	s3 =	sand.u32 $0xF80, s1  }
0x8: {  	s9 =	simm.s32 $0x0;
	s5 =	sshrl.u32 s1, $0xC;
	p0 =	sne.s32 s3, $0x0  }
.Ltmp0:
0x9: {  	s1 =	rddreg [dreg:$0x2];
	s4 =	simm.s32 @!p0 $0x0;
	(pc) =	sbr.rel .LBB1_1-.Ltmp0, $4  }
0xa: {  	s11 =	simm.s32 $0x0;
	s3 =	rddreg [dreg:$0x1];
	s5 =	sadd.s32 s4, s5  }
0xb: {  	_ =	strace $0x8000004D;
	s4 =	simm.s32 $0x1;
	s5 =	smul.u32 $0xC8, s5  }
0xc: {  	s6 =	sadd.s32 $0xE00, s6;
	s10 =	smov.u32 s2;
	[sflag:s4] =	ssyncpa.u1 $0x0  }
0xd: {  	p0 =	por $0x0, $0x0;
	[sflag:s7] =	ssyncpa.u1 $0x0;
	s7 =	sor.u32 $0x1, s5  }
.LBB1_4:
0xe: {  	s16 =	sshll.u32 s13, $0x3;
	s17 =	sand.u32 $0x78, s13  }
0xf: {  	s30 =	sand.u32 $0x7E00, s13;
	s12 =	sshll.u32 s12, $0xF;
	s16 =	sand.u32 $0xC00, s16  }
0x10: {  	[tilespmem:s15+$0x810 ss:$0x81] =	vst.msk $0xffff, v2;
	s31 =	sand.u32 $0x7, s13;
	s16 =	sor.u32 s17, s16;
	s17 =	sadd.s32 s3, s30  }
0x11: {  	[tilespmem:s15+$0x1020 ss:$0x81] =	vst.msk $0xffff, v0;
	s13 =	sshll.u32 s31, $0x12;
	s12 =	sadd.s32 s12, s17;
	s16 =	sshrl.u32 s16, $0x3  }
0x12: {  	[tilespmem:s15+$0x0 ss:$0x81] =	vst.msk $0xffff, v1;
	s13 =	sor.u32 $0x400, s13;
	s12 =	sadd.s32 s16, s12  }
0x13: {  	[hbm4b:s12+s13] =	stream.strided.scatter [tilespmem:s14], [sflag:$0x2], $0x2000, s8, s13, $0x20;
	[tilespmem:$0x8080] =	vst v63  }
.LBB1_5:
0x14: {  	s14 =	sadd.s32 $0x1, s9  }
0x15: {  	s12 =	sadd.s32 $0x1000, s10;
	s16 =	smov.u32 s10;
	p2 =	sgt.s32 s14, $0xC7  }
0x16: {  	s16 =	smov.u32 @p2 s12  }
0x17: {  	s14 =	simm.s32 @p2 $0x0;
	p2 =	sgt.s32 s16, $0xFFF  }
0x18: {  	s16 =	smov.u32 @p2 s2;
	p2 =	sne.s32 s11, s7  }
.Ltmp1:
0x19: {  	p1 =	slt.u32 s11, $0x2;
	(pc) =	sbr.rel @!p2 .LBB1_6-.Ltmp1, $4  }
0x1a: {  	s15 =	simm.s32 @!p1 $0x2  }
0x1b: {  	s13 =	smov.u32 s10;
	p0 =	por !p0, !p0;
	_ =	swait.ge @!p1 [sflag:s15], $0x2000  }
0x1c: {  	s12 =	smov.u32 s9;
	[sflag:s15] =	ssyncset.done @!p1 $0x0;
	s9 =	smov.u32 s14  }
0x1d: {  	s11 =	sadd.s32 $0x1, s11;
	[sflag:s15] =	ssyncadd.s32 @!p1 $0xFFFFE000;
	s10 =	smov.u32 s16  }
.LBB1_1:
0x1e: {  	p1 =	sge.u32 s11, s5  }
0x1f: {  	s14 =	sand.u32 @!p1 $0x1FFFFFF, s9  }
0x20: {  	s15 =	smulhi.u32 @!p1 $0x147AE15, s14;
	_ =	sdelay $0x1  }
0x21: {  	s15 =	smul.u32 @!p1 $0xC8, s15  }
0x22: {  	s16 =	sxor.u32 @!p1 $0xFFFFFFFF, s11;
	s17 =	smul.u32 @!p1 $0xC80, s10  }
0x23: {  	s31 =	sadd.s32 $0xFFFFFFFF, s11;
	s16 =	sshll.u32 @!p1 s16, $0xD;
	s14 =	ssub.s32 @!p1 s14, s15  }
0x24: {  	s15 =	sand.u32 @!p1 $0x2000, s16;
	s16 =	sadd.s32 @!p1 s6, s17;
	s14 =	sshll.u32 @!p1 s14, $0x4  }
0x25: {  	s17 =	simm.s32 @!p1 $0x6400;
	s14 =	sadd.s32 @!p1 s14, s16;
	s16 =	simm.s32 @!p1 $0x40  }
0x26: {  	[tilespmem:s15], [sflag:$0x1] =	stream.strided.gather @!p1 [hbm4b:s14+s16], $0x2000, s17, s16, $0x38;
	[tilespmem:$0x8080] =	vst v63  }
0x27: {  	p1 =	sge.u32 s31, s5  }
.Ltmp2:
0x28: {  	_ = 	snop;
	(pc) =	sbr.rel @p1 .LBB1_5-.Ltmp2, $1  }
0x29: {  	_ =	sdelay $0x3  }
0x2a: {  	s14 =	simm.s32 $0x1  }
0x2b: {  	_ =	swait.ge [sflag:s4], $0x2000;
	s14 =	simm.s32 @!p0 $0x0  }
0x2c: {  	[sflag:s4] =	ssyncset.done $0x0;
	s15 =	sshll.u32 s14, $0xD  }
0x2d: {  	[sflag:s4] =	ssyncadd.s32 $0xFFFFE000;
	s18 =	sor.u32 $0x20, s15  }
0x2e: {  	s14 =	smul.u32 $0x8100, s14;
	v3 =	vld [tilespmem:s18+$0x10]  }
0x2f: {  	s30 =	sand.u32 $0x1, s11;
	v2 =	vld [tilespmem:s18+$0xFFFFFFF0]  }
0x30: {  	s15 =	smul.u32 $0x8100, s30;
	s14 =	sshrl.u32 s14, $0x2;
	v0 =	vld [tilespmem:s18+$0x0]  }
0x31: {  	v1 =	vld [tilespmem:s18+$0xFFFFFFE0];
	s16 =	sor.u32 $0x4000, s14  }
0x32: {  	s31 =	sshrl.u32 s15, $0x2;
	s15 =	sadd.s32 $0x0, s16  }
0x33: {  	s17 =	simm.s32 $0x4;
	s18 =	sadd.s32 $0x40, s18;
	s14 =	sor.u32 $0x4000, s31;
	[tilespmem:s15+$0x1830 ss:$0x81] =	vst.msk $0xffff, v3  }
.LBB1_3:
0x34: {  	v3 =	vld [tilespmem:s18+$0x10];
	p1 =	sne.s32 s17, $0x1FC;
	[tilespmem:s15+$0x810 ss:$0x81] =	vst.msk $0xffff, v2;
	s19 =	smov.u32 s17;
	s17 =	sadd.s32 $0x4, s17  }
.Ltmp3:
0x35: {  	v2 =	vld [tilespmem:s18+$0xFFFFFFF0];
	[tilespmem:s15+$0x1020 ss:$0x81] =	vst.msk $0xffff, v0;
	(pc) =	sbr.rel @p1 .LBB1_3-.Ltmp3, $4  }
0x36: {  	v0 =	vld [tilespmem:s18+$0x0];
	[tilespmem:s15+$0x0 ss:$0x81] =	vst.msk $0xffff, v1  }
0x37: {  	s15 =	sshra.s32 s19, $0x2;
	v1 =	vld [tilespmem:s18+$0xFFFFFFE0]  }
0x38: {  	s15 =	sadd.s32 s15, s16  }
0x39: {  	s18 =	sadd.s32 $0x40, s18;
	[tilespmem:s15+$0x1830 ss:$0x81] =	vst.msk $0xffff, v3  }
.Ltmp4:
0x3a: {  	_ = 	snop;
	(pc) =	sbr.rel .LBB1_4-.Ltmp4, $1  }
0x3b: {  	_ =	sdelay $0x3  }
.LBB1_6:
0x3c: {  	_ =	sfence.sel $0x180000  }
0x3d: {  	s2 =	simm.s32 $0x1;
	[bflag:$0x0] =	sbarrier.arrive $0xFFFF  }
0x3e: {  	s31 =	simm.s32 $0x2;
	[sflag:s2] =	ssyncpa.u1 $0x1  }
0x3f: {  	[sflag:s31] =	ssyncpa.u1 $0x1  }
0x40: {  	p0 =	sne.s32 s0, $0x0;
	_ =	strace $0x9000004D  }
0x41: {  	s0 =	sadd.s32 @!p0 $0x100000, s1;
	[bflag:$0x2] =	sbarrier.arrive $0xFFFF  }
0x42: {  	[sflag:s0] =	ssyncadd.tile.s32 @!p0 $0x1;
	_ =	shalt  }
.Lfunc_end1:
_tile_overlayer_lowered:
.L_overlay_start_2:
0x43: {  	(tag) =	ssettag $0x2  }
0x44: {  	s0 =	rddreg [dreg:$0x0];
	s2 =	stileid.u32  }
0x45: {  	s1 =	rddreg [dreg:$0x1];
	p0 =	sne.s32 s2, $0x0  }
0x46: {  	s3 =	rddreg [dreg:$0x2];
	[bflag:$0x3] =	sbarrier.arrive $0xFFFF;
	s2 =	simm.s32 @!p0 $0x1C01  }
0x47: {  	[timem:s3], [sflag:s2] =	dma.local @!p0 [hbm:s0], s1  }
0x48: {  	s0 =	simm.s32 @!p0 $0x1  }
0x49: {  	_ =	swait.ge @!p0 [sflag:s0], s1  }
0x4a: {  	s1 =	ssub.s32 @!p0 $0x0, s1;
	[sflag:s0] =	ssyncset.done @!p0 $0x0  }
0x4b: {  	[sflag:s0] =	ssyncadd.s32 @!p0 s1  }
0x4c: {  	[bflag:$0x3] =	sbarrier.arrive $0xFFFF  }
0x4d: {  	_ =	shalt  }

</sc_bundles>
